<compile_context>
chip_gen: v7x
topology: tpu7x:2x2x1
jax: 0.10.2.dev20260603
libtpu: 0.0.44.dev20260713+nightly
codegen_flags: <defaults>
</compile_context>

<pallas_src>
import functools

import jax
import jax.numpy as jnp
from jax import lax
from jax.experimental import pallas as pl
from jax.experimental.pallas import tpu as pltpu
from jax.experimental.pallas import tpu_sc as plsc

NC = 2
NS = 16
NW = NC * NS

SENT = 4096
SLEN = 50
B = SENT * SLEN
D = 128
BPW = B // NW
NBUF = 10
CHUNK = 64
NCHUNK = BPW // CHUNK

_mesh = plsc.VectorSubcoreMesh(
    core_axis_name="c", subcore_axis_name="s", num_cores=NC, num_subcores=NS
)


@functools.partial(
    pl.kernel,
    out_type=(
        jax.ShapeDtypeStruct((B, D), jnp.float32),
        jax.ShapeDtypeStruct((B, D), jnp.float32),
    ),
    mesh=_mesh,
    scratch_types=[
        pltpu.VMEM((BPW,), jnp.int32),
        pltpu.VMEM((BPW,), jnp.int32),
        [pltpu.VMEM((CHUNK, D), jnp.float32) for _ in range(NBUF)],
        [pltpu.SemaphoreType.DMA for _ in range(NBUF)],
        [pltpu.SemaphoreType.DMA for _ in range(NBUF)],
    ],
)
def _embed_lookup(src_idx, tgt_idx, src_table, tgt_table,
                  src_out, tgt_out, sidx_v, tidx_v, rows, gsem, wsem):
    wid = lax.axis_index("s") * NC + lax.axis_index("c")
    base = wid * BPW

    pltpu.sync_copy(src_idx.at[pl.ds(base, BPW)], sidx_v)
    pltpu.sync_copy(tgt_idx.at[pl.ds(base, BPW)], tidx_v)

    def one_table(idx_v, table_hbm, out_hbm):
        def gather(j, b):
            return pltpu.make_async_copy(
                table_hbm.at[idx_v.at[pl.ds(j * CHUNK, CHUNK)]], rows[b], gsem[b])

        def writeback(j, b):
            return pltpu.make_async_copy(
                rows[b], out_hbm.at[pl.ds(base + j * CHUNK, CHUNK)], wsem[b])

        for b in range(NBUF):
            gather(b, b).start()

        @pl.loop(0, NCHUNK - NBUF, step=NBUF)
        def _(i):
            for b in range(NBUF):
                gather(i + b, b).wait()
                writeback(i + b, b).start()
            for b in range(NBUF):
                writeback(i + b, b).wait()
                gather(i + NBUF + b, b).start()

        last = NCHUNK - NBUF
        for b in range(NBUF):
            gather(last + b, b).wait()
            writeback(last + b, b).start()
        for b in range(NBUF):
            writeback(last + b, b).wait()

    one_table(sidx_v, src_table, src_out)
    one_table(tidx_v, tgt_table, tgt_out)


def kernel(src_indices, tgt_indices, src_table, tgt_table):
    src_t = src_indices.astype(jnp.int32).T.reshape(-1)
    tgt_t = tgt_indices.astype(jnp.int32).T.reshape(-1)
    src_out, tgt_out = _embed_lookup(src_t, tgt_t, src_table, tgt_table)
    src_emb = src_out.reshape(SLEN, SENT, D).transpose(1, 0, 2)
    tgt_emb = tgt_out.reshape(SLEN, SENT, D).transpose(1, 0, 2)
    return (src_emb, tgt_emb)

# --- scband reference (transcript-rebuilt; emitter-appended) ---
"""Pipeline reference for scband-model-embeddings-60541859004638 (READ-ONLY COPY).

The authoritative reference and input builder live on the scoring server;
editing this copy changes nothing except your own understanding.
"""

import jax, jax.numpy as jnp
import numpy as np

VOCAB_SRC = 100000
VOCAB_TGT = 100000
EMBED_SRC = 128
EMBED_TGT = 128
SRC_PAD_IDX = 0
TGT_PAD_IDX = 0


def setup_inputs(seed: int = 0) -> dict:
    key = jax.random.key(seed)
    k1, k2, k3, k4 = jax.random.split(key, 4)
    src_table = jax.random.normal(k1, (VOCAB_SRC, EMBED_SRC), dtype=jnp.float32)
    tgt_table = jax.random.normal(k2, (VOCAB_TGT, EMBED_TGT), dtype=jnp.float32)
    # padding_idx rows are zero in nn.Embedding
    src_table = src_table.at[SRC_PAD_IDX].set(0.0)
    tgt_table = tgt_table.at[TGT_PAD_IDX].set(0.0)
    src_indices = jax.random.randint(k3, (4096, 50), 0, VOCAB_SRC, dtype=jnp.int64 if jax.config.jax_enable_x64 else jnp.int32)
    tgt_indices = jax.random.randint(k4, (4096, 50), 0, VOCAB_TGT, dtype=jnp.int64 if jax.config.jax_enable_x64 else jnp.int32)
    return {
        "src_indices": src_indices,
        "tgt_indices": tgt_indices,
        "src_table": src_table,
        "tgt_table": tgt_table,
    }


def reference(src_indices, tgt_indices, src_table, tgt_table):
    # ModelEmbeddings holds two nn.Embedding layers (source, target).
    # Forward usage is embedding lookup on each table.
    src_emb = jnp.take(src_table, src_indices, axis=0)
    tgt_emb = jnp.take(tgt_table, tgt_indices, axis=0)
    return (src_emb, tgt_emb)

if __name__ == "__main__":
    import jax
    _d = setup_inputs()
    print(jax.jit(kernel)(*tuple(_d.values())))

</pallas_src>

<mosaic_0001>
#map = affine_map<(d0, d1) -> (0)>
#map1 = affine_map<(d0, d1) -> (0, 0)>
module attributes {stable_mosaic.version = 14 : i64} {
  func.func @_embed_lookup(%arg0: i32, %arg1: i32, %arg2: memref<204800xi32, #tpu.memory_space<hbm>>, %arg3: memref<204800xi32, #tpu.memory_space<hbm>>, %arg4: memref<100000x128xf32, #tpu.memory_space<hbm>>, %arg5: memref<100000x128xf32, #tpu.memory_space<hbm>>, %arg6: memref<204800x128xf32, #tpu.memory_space<hbm>>, %arg7: memref<204800x128xf32, #tpu.memory_space<hbm>>, %arg8: memref<6400xi32, #tpu.memory_space<vmem>>, %arg9: memref<6400xi32, #tpu.memory_space<vmem>>, %arg10: memref<64x128xf32, #tpu.memory_space<vmem>>, %arg11: memref<64x128xf32, #tpu.memory_space<vmem>>, %arg12: memref<64x128xf32, #tpu.memory_space<vmem>>, %arg13: memref<64x128xf32, #tpu.memory_space<vmem>>, %arg14: memref<64x128xf32, #tpu.memory_space<vmem>>, %arg15: memref<64x128xf32, #tpu.memory_space<vmem>>, %arg16: memref<64x128xf32, #tpu.memory_space<vmem>>, %arg17: memref<64x128xf32, #tpu.memory_space<vmem>>, %arg18: memref<64x128xf32, #tpu.memory_space<vmem>>, %arg19: memref<64x128xf32, #tpu.memory_space<vmem>>, %arg20: memref<!tpu.dma_semaphore, #tpu.memory_space<semaphore_mem>>, %arg21: memref<!tpu.dma_semaphore, #tpu.memory_space<semaphore_mem>>, %arg22: memref<!tpu.dma_semaphore, #tpu.memory_space<semaphore_mem>>, %arg23: memref<!tpu.dma_semaphore, #tpu.memory_space<semaphore_mem>>, %arg24: memref<!tpu.dma_semaphore, #tpu.memory_space<semaphore_mem>>, %arg25: memref<!tpu.dma_semaphore, #tpu.memory_space<semaphore_mem>>, %arg26: memref<!tpu.dma_semaphore, #tpu.memory_space<semaphore_mem>>, %arg27: memref<!tpu.dma_semaphore, #tpu.memory_space<semaphore_mem>>, %arg28: memref<!tpu.dma_semaphore, #tpu.memory_space<semaphore_mem>>, %arg29: memref<!tpu.dma_semaphore, #tpu.memory_space<semaphore_mem>>, %arg30: memref<!tpu.dma_semaphore, #tpu.memory_space<semaphore_mem>>, %arg31: memref<!tpu.dma_semaphore, #tpu.memory_space<semaphore_mem>>, %arg32: memref<!tpu.dma_semaphore, #tpu.memory_space<semaphore_mem>>, %arg33: memref<!tpu.dma_semaphore, #tpu.memory_space<semaphore_mem>>, %arg34: memref<!tpu.dma_semaphore, #tpu.memory_space<semaphore_mem>>, %arg35: memref<!tpu.dma_semaphore, #tpu.memory_space<semaphore_mem>>, %arg36: memref<!tpu.dma_semaphore, #tpu.memory_space<semaphore_mem>>, %arg37: memref<!tpu.dma_semaphore, #tpu.memory_space<semaphore_mem>>, %arg38: memref<!tpu.dma_semaphore, #tpu.memory_space<semaphore_mem>>, %arg39: memref<!tpu.dma_semaphore, #tpu.memory_space<semaphore_mem>>) attributes {dimension_semantics = [#tpu.dimension_semantics<core_parallel>, #tpu.dimension_semantics<subcore_parallel>], iteration_bounds = array<i64: 2, 16>, scalar_prefetch = 0 : i64, scratch_operands = 32 : i64, tpu.core_type = #tpu.core_type<sc_vector_subcore>, window_params = [{transform_indices = #map}, {transform_indices = #map}, {transform_indices = #map1}, {transform_indices = #map1}, {transform_indices = #map1}, {transform_indices = #map1}]} {
    %mul3A = arith.constant 2 : i32
    %mul3A_0 = arith.muli %arg1, %mul3A : i32
    %add3A = arith.addi %mul3A_0, %arg0 : i32
    %mul3A_1 = arith.constant 6400 : i32
    %mul3A_2 = arith.muli %add3A, %mul3A_1 : i32
    "tpu.region"() ({
      %run_scoped3A = tpu.sem_alloc : memref<!tpu.dma_semaphore, #tpu.memory_space<semaphore_mem>>
      %dma_start3A_450 = tpu.memref_slice %arg2[%mul3A_2] : memref<204800xi32, #tpu.memory_space<hbm>> -> memref<6400xi32, #tpu.memory_space<hbm>>
      %dma_start3A_451 = tpu.memref_slice %arg2[%mul3A_2] : memref<204800xi32, #tpu.memory_space<hbm>> -> memref<6400xi32, #tpu.memory_space<hbm>>
      tpu.enqueue_dma source(%dma_start3A_451 : memref<6400xi32, #tpu.memory_space<hbm>>) target(%arg8 : memref<6400xi32, #tpu.memory_space<vmem>>) target_semaphore(%run_scoped3A : memref<!tpu.dma_semaphore, #tpu.memory_space<semaphore_mem>>)
      %dma_wait3A_452 = tpu.memref_slice %arg2[%mul3A_2] : memref<204800xi32, #tpu.memory_space<hbm>> -> memref<6400xi32, #tpu.memory_space<hbm>>
      %dma_wait3A_453 = tpu.memref_slice %arg2[%mul3A_2] : memref<204800xi32, #tpu.memory_space<hbm>> -> memref<6400xi32, #tpu.memory_space<hbm>>
      tpu.wait_dma2 semaphore(%run_scoped3A : memref<!tpu.dma_semaphore, #tpu.memory_space<semaphore_mem>>) src(%dma_wait3A_453 : memref<6400xi32, #tpu.memory_space<hbm>>) dst(%arg8 : memref<6400xi32, #tpu.memory_space<vmem>>)
      tpu.yield
    }) : () -> ()
    "tpu.region"() ({
      %run_scoped3A = tpu.sem_alloc : memref<!tpu.dma_semaphore, #tpu.memory_space<semaphore_mem>>
      %dma_start3A_450 = tpu.memref_slice %arg3[%mul3A_2] : memref<204800xi32, #tpu.memory_space<hbm>> -> memref<6400xi32, #tpu.memory_space<hbm>>
      %dma_start3A_451 = tpu.memref_slice %arg3[%mul3A_2] : memref<204800xi32, #tpu.memory_space<hbm>> -> memref<6400xi32, #tpu.memory_space<hbm>>
      tpu.enqueue_dma source(%dma_start3A_451 : memref<6400xi32, #tpu.memory_space<hbm>>) target(%arg9 : memref<6400xi32, #tpu.memory_space<vmem>>) target_semaphore(%run_scoped3A : memref<!tpu.dma_semaphore, #tpu.memory_space<semaphore_mem>>)
      %dma_wait3A_452 = tpu.memref_slice %arg3[%mul3A_2] : memref<204800xi32, #tpu.memory_space<hbm>> -> memref<6400xi32, #tpu.memory_space<hbm>>
      %dma_wait3A_453 = tpu.memref_slice %arg3[%mul3A_2] : memref<204800xi32, #tpu.memory_space<hbm>> -> memref<6400xi32, #tpu.memory_space<hbm>>
      tpu.wait_dma2 semaphore(%run_scoped3A : memref<!tpu.dma_semaphore, #tpu.memory_space<semaphore_mem>>) src(%dma_wait3A_453 : memref<6400xi32, #tpu.memory_space<hbm>>) dst(%arg9 : memref<6400xi32, #tpu.memory_space<vmem>>)
      tpu.yield
    }) : () -> ()
    %dma_start3A = arith.constant 0 : i32
    %dma_start3A_3 = tpu.memref_slice %arg8[%dma_start3A] : memref<6400xi32, #tpu.memory_space<vmem>> -> memref<64xi32, #tpu.memory_space<vmem>>
    %dma_start3A_4 = arith.constant 0 : i32
    %dma_start3A_5 = arith.constant 0 : i32
    %dma_start3A_6 = tpu.memref_slice %arg4[%dma_start3A_4, %dma_start3A_5] : memref<100000x128xf32, #tpu.memory_space<hbm>> -> memref<100000x128xf32, #tpu.memory_space<hbm>>
    tpu.enqueue_indirect_dma source(%dma_start3A_6 : memref<100000x128xf32, #tpu.memory_space<hbm>>) target(%arg10 : memref<64x128xf32, #tpu.memory_space<vmem>>) offsets(%dma_start3A_3 : memref<64xi32, #tpu.memory_space<vmem>>) semaphore(%arg20 : memref<!tpu.dma_semaphore, #tpu.memory_space<semaphore_mem>>)
    %dma_start3A_7 = arith.constant 64 : i32
    %dma_start3A_8 = tpu.memref_slice %arg8[%dma_start3A_7] : memref<6400xi32, #tpu.memory_space<vmem>> -> memref<64xi32, #tpu.memory_space<vmem>>
    %dma_start3A_9 = arith.constant 0 : i32
    %dma_start3A_10 = arith.constant 0 : i32
    %dma_start3A_11 = tpu.memref_slice %arg4[%dma_start3A_9, %dma_start3A_10] : memref<100000x128xf32, #tpu.memory_space<hbm>> -> memref<100000x128xf32, #tpu.memory_space<hbm>>
    tpu.enqueue_indirect_dma source(%dma_start3A_11 : memref<100000x128xf32, #tpu.memory_space<hbm>>) target(%arg11 : memref<64x128xf32, #tpu.memory_space<vmem>>) offsets(%dma_start3A_8 : memref<64xi32, #tpu.memory_space<vmem>>) semaphore(%arg21 : memref<!tpu.dma_semaphore, #tpu.memory_space<semaphore_mem>>)
    %dma_start3A_12 = arith.constant 128 : i32
    %dma_start3A_13 = tpu.memref_slice %arg8[%dma_start3A_12] : memref<6400xi32, #tpu.memory_space<vmem>> -> memref<64xi32, #tpu.memory_space<vmem>>
    %dma_start3A_14 = arith.constant 0 : i32
    %dma_start3A_15 = arith.constant 0 : i32
    %dma_start3A_16 = tpu.memref_slice %arg4[%dma_start3A_14, %dma_start3A_15] : memref<100000x128xf32, #tpu.memory_space<hbm>> -> memref<100000x128xf32, #tpu.memory_space<hbm>>
    tpu.enqueue_indirect_dma source(%dma_start3A_16 : memref<100000x128xf32, #tpu.memory_space<hbm>>) target(%arg12 : memref<64x128xf32, #tpu.memory_space<vmem>>) offsets(%dma_start3A_13 : memref<64xi32, #tpu.memory_space<vmem>>) semaphore(%arg22 : memref<!tpu.dma_semaphore, #tpu.memory_space<semaphore_mem>>)
    %dma_start3A_17 = arith.constant 192 : i32
    %dma_start3A_18 = tpu.memref_slice %arg8[%dma_start3A_17] : memref<6400xi32, #tpu.memory_space<vmem>> -> memref<64xi32, #tpu.memory_space<vmem>>
    %dma_start3A_19 = arith.constant 0 : i32
    %dma_start3A_20 = arith.constant 0 : i32
    %dma_start3A_21 = tpu.memref_slice %arg4[%dma_start3A_19, %dma_start3A_20] : memref<100000x128xf32, #tpu.memory_space<hbm>> -> memref<100000x128xf32, #tpu.memory_space<hbm>>
    tpu.enqueue_indirect_dma source(%dma_start3A_21 : memref<100000x128xf32, #tpu.memory_space<hbm>>) target(%arg13 : memref<64x128xf32, #tpu.memory_space<vmem>>) offsets(%dma_start3A_18 : memref<64xi32, #tpu.memory_space<vmem>>) semaphore(%arg23 : memref<!tpu.dma_semaphore, #tpu.memory_space<semaphore_mem>>)
    %dma_start3A_22 = arith.constant 256 : i32
    %dma_start3A_23 = tpu.memref_slice %arg8[%dma_start3A_22] : memref<6400xi32, #tpu.memory_space<vmem>> -> memref<64xi32, #tpu.memory_space<vmem>>
    %dma_start3A_24 = arith.constant 0 : i32
    %dma_start3A_25 = arith.constant 0 : i32
    %dma_start3A_26 = tpu.memref_slice %arg4[%dma_start3A_24, %dma_start3A_25] : memref<100000x128xf32, #tpu.memory_space<hbm>> -> memref<100000x128xf32, #tpu.memory_space<hbm>>
    tpu.enqueue_indirect_dma source(%dma_start3A_26 : memref<100000x128xf32, #tpu.memory_space<hbm>>) target(%arg14 : memref<64x128xf32, #tpu.memory_space<vmem>>) offsets(%dma_start3A_23 : memref<64xi32, #tpu.memory_space<vmem>>) semaphore(%arg24 : memref<!tpu.dma_semaphore, #tpu.memory_space<semaphore_mem>>)
    %dma_start3A_27 = arith.constant 320 : i32
    %dma_start3A_28 = tpu.memref_slice %arg8[%dma_start3A_27] : memref<6400xi32, #tpu.memory_space<vmem>> -> memref<64xi32, #tpu.memory_space<vmem>>
    %dma_start3A_29 = arith.constant 0 : i32
    %dma_start3A_30 = arith.constant 0 : i32
    %dma_start3A_31 = tpu.memref_slice %arg4[%dma_start3A_29, %dma_start3A_30] : memref<100000x128xf32, #tpu.memory_space<hbm>> -> memref<100000x128xf32, #tpu.memory_space<hbm>>
    tpu.enqueue_indirect_dma source(%dma_start3A_31 : memref<100000x128xf32, #tpu.memory_space<hbm>>) target(%arg15 : memref<64x128xf32, #tpu.memory_space<vmem>>) offsets(%dma_start3A_28 : memref<64xi32, #tpu.memory_space<vmem>>) semaphore(%arg25 : memref<!tpu.dma_semaphore, #tpu.memory_space<semaphore_mem>>)
    %dma_start3A_32 = arith.constant 384 : i32
    %dma_start3A_33 = tpu.memref_slice %arg8[%dma_start3A_32] : memref<6400xi32, #tpu.memory_space<vmem>> -> memref<64xi32, #tpu.memory_space<vmem>>
    %dma_start3A_34 = arith.constant 0 : i32
    %dma_start3A_35 = arith.constant 0 : i32
    %dma_start3A_36 = tpu.memref_slice %arg4[%dma_start3A_34, %dma_start3A_35] : memref<100000x128xf32, #tpu.memory_space<hbm>> -> memref<100000x128xf32, #tpu.memory_space<hbm>>
    tpu.enqueue_indirect_dma source(%dma_start3A_36 : memref<100000x128xf32, #tpu.memory_space<hbm>>) target(%arg16 : memref<64x128xf32, #tpu.memory_space<vmem>>) offsets(%dma_start3A_33 : memref<64xi32, #tpu.memory_space<vmem>>) semaphore(%arg26 : memref<!tpu.dma_semaphore, #tpu.memory_space<semaphore_mem>>)
    %dma_start3A_37 = arith.constant 448 : i32
    %dma_start3A_38 = tpu.memref_slice %arg8[%dma_start3A_37] : memref<6400xi32, #tpu.memory_space<vmem>> -> memref<64xi32, #tpu.memory_space<vmem>>
    %dma_start3A_39 = arith.constant 0 : i32
    %dma_start3A_40 = arith.constant 0 : i32
    %dma_start3A_41 = tpu.memref_slice %arg4[%dma_start3A_39, %dma_start3A_40] : memref<100000x128xf32, #tpu.memory_space<hbm>> -> memref<100000x128xf32, #tpu.memory_space<hbm>>
    tpu.enqueue_indirect_dma source(%dma_start3A_41 : memref<100000x128xf32, #tpu.memory_space<hbm>>) target(%arg17 : memref<64x128xf32, #tpu.memory_space<vmem>>) offsets(%dma_start3A_38 : memref<64xi32, #tpu.memory_space<vmem>>) semaphore(%arg27 : memref<!tpu.dma_semaphore, #tpu.memory_space<semaphore_mem>>)
    %dma_start3A_42 = arith.constant 512 : i32
    %dma_start3A_43 = tpu.memref_slice %arg8[%dma_start3A_42] : memref<6400xi32, #tpu.memory_space<vmem>> -> memref<64xi32, #tpu.memory_space<vmem>>
    %dma_start3A_44 = arith.constant 0 : i32
    %dma_start3A_45 = arith.constant 0 : i32
    %dma_start3A_46 = tpu.memref_slice %arg4[%dma_start3A_44, %dma_start3A_45] : memref<100000x128xf32, #tpu.memory_space<hbm>> -> memref<100000x128xf32, #tpu.memory_space<hbm>>
    tpu.enqueue_indirect_dma source(%dma_start3A_46 : memref<100000x128xf32, #tpu.memory_space<hbm>>) target(%arg18 : memref<64x128xf32, #tpu.memory_space<vmem>>) offsets(%dma_start3A_43 : memref<64xi32, #tpu.memory_space<vmem>>) semaphore(%arg28 : memref<!tpu.dma_semaphore, #tpu.memory_space<semaphore_mem>>)
    %dma_start3A_47 = arith.constant 576 : i32
    %dma_start3A_48 = tpu.memref_slice %arg8[%dma_start3A_47] : memref<6400xi32, #tpu.memory_space<vmem>> -> memref<64xi32, #tpu.memory_space<vmem>>
    %dma_start3A_49 = arith.constant 0 : i32
    %dma_start3A_50 = arith.constant 0 : i32
    %dma_start3A_51 = tpu.memref_slice %arg4[%dma_start3A_49, %dma_start3A_50] : memref<100000x128xf32, #tpu.memory_space<hbm>> -> memref<100000x128xf32, #tpu.memory_space<hbm>>
    tpu.enqueue_indirect_dma source(%dma_start3A_51 : memref<100000x128xf32, #tpu.memory_space<hbm>>) target(%arg19 : memref<64x128xf32, #tpu.memory_space<vmem>>) offsets(%dma_start3A_48 : memref<64xi32, #tpu.memory_space<vmem>>) semaphore(%arg29 : memref<!tpu.dma_semaphore, #tpu.memory_space<semaphore_mem>>)
    %scan3A = arith.constant 0 : i32
    %scan3A_52 = arith.constant 9 : i32
    %scan3A_53 = arith.addi %scan3A, %scan3A_52 : i32
    %scan3A_54 = arith.constant 1 : i32
    scf.for %scan3A_450 = %scan3A to %scan3A_53 step %scan3A_54  : i32 {
      %mul3A_451 = arith.constant 10 : i32
      %mul3A_452 = arith.muli %scan3A_450, %mul3A_451 : i32
      %add3A_453 = arith.constant 0 : i32
      %add3A_454 = arith.addi %add3A_453, %mul3A_452 : i32
      %add3A_455 = arith.constant 0 : i32
      %add3A_456 = arith.addi %add3A_454, %add3A_455 : i32
      %mul3A_457 = arith.constant 64 : i32
      %mul3A_458 = arith.muli %add3A_456, %mul3A_457 : i32
      %dma_wait3A_459 = tpu.memref_slice %arg8[%mul3A_458] : memref<6400xi32, #tpu.memory_space<vmem>> -> memref<64xi32, #tpu.memory_space<vmem>>
      %dma_wait3A_460 = arith.constant 0 : i32
      %dma_wait3A_461 = arith.constant 0 : i32
      %dma_wait3A_462 = tpu.memref_slice %arg4[%dma_wait3A_460, %dma_wait3A_461] : memref<100000x128xf32, #tpu.memory_space<hbm>> -> memref<100000x128xf32, #tpu.memory_space<hbm>>
      tpu.wait_indirect_dma semaphore(%arg20 : memref<!tpu.dma_semaphore, #tpu.memory_space<semaphore_mem>>) src(%dma_wait3A_462 : memref<100000x128xf32, #tpu.memory_space<hbm>>) dst(%arg10 : memref<64x128xf32, #tpu.memory_space<vmem>>)
      %add3A_463 = arith.constant 0 : i32
      %add3A_464 = arith.addi %add3A_454, %add3A_463 : i32
      %mul3A_465 = arith.constant 64 : i32
      %mul3A_466 = arith.muli %add3A_464, %mul3A_465 : i32
      %add3A_467 = arith.addi %mul3A_2, %mul3A_466 : i32
      %dma_start3A_468 = arith.constant 0 : i32
      %dma_start3A_469 = tpu.memref_slice %arg6[%add3A_467, %dma_start3A_468] : memref<204800x128xf32, #tpu.memory_space<hbm>> -> memref<64x128xf32, #tpu.memory_space<hbm>>
      %dma_start3A_470 = arith.constant 0 : i32
      %dma_start3A_471 = tpu.memref_slice %arg6[%add3A_467, %dma_start3A_470] : memref<204800x128xf32, #tpu.memory_space<hbm>> -> memref<64x128xf32, #tpu.memory_space<hbm>>
      tpu.enqueue_dma source(%arg10 : memref<64x128xf32, #tpu.memory_space<vmem>>) target(%dma_start3A_471 : memref<64x128xf32, #tpu.memory_space<hbm>>) target_semaphore(%arg30 : memref<!tpu.dma_semaphore, #tpu.memory_space<semaphore_mem>>)
      %add3A_472 = arith.constant 1 : i32
      %add3A_473 = arith.addi %add3A_454, %add3A_472 : i32
      %mul3A_474 = arith.constant 64 : i32
      %mul3A_475 = arith.muli %add3A_473, %mul3A_474 : i32
      %dma_wait3A_476 = tpu.memref_slice %arg8[%mul3A_475] : memref<6400xi32, #tpu.memory_space<vmem>> -> memref<64xi32, #tpu.memory_space<vmem>>
      %dma_wait3A_477 = arith.constant 0 : i32
      %dma_wait3A_478 = arith.constant 0 : i32
      %dma_wait3A_479 = tpu.memref_slice %arg4[%dma_wait3A_477, %dma_wait3A_478] : memref<100000x128xf32, #tpu.memory_space<hbm>> -> memref<100000x128xf32, #tpu.memory_space<hbm>>
      tpu.wait_indirect_dma semaphore(%arg21 : memref<!tpu.dma_semaphore, #tpu.memory_space<semaphore_mem>>) src(%dma_wait3A_479 : memref<100000x128xf32, #tpu.memory_space<hbm>>) dst(%arg11 : memref<64x128xf32, #tpu.memory_space<vmem>>)
      %add3A_480 = arith.constant 1 : i32
      %add3A_481 = arith.addi %add3A_454, %add3A_480 : i32
      %mul3A_482 = arith.constant 64 : i32
      %mul3A_483 = arith.muli %add3A_481, %mul3A_482 : i32
      %add3A_484 = arith.addi %mul3A_2, %mul3A_483 : i32
      %dma_start3A_485 = arith.constant 0 : i32
      %dma_start3A_486 = tpu.memref_slice %arg6[%add3A_484, %dma_start3A_485] : memref<204800x128xf32, #tpu.memory_space<hbm>> -> memref<64x128xf32, #tpu.memory_space<hbm>>
      %dma_start3A_487 = arith.constant 0 : i32
      %dma_start3A_488 = tpu.memref_slice %arg6[%add3A_484, %dma_start3A_487] : memref<204800x128xf32, #tpu.memory_space<hbm>> -> memref<64x128xf32, #tpu.memory_space<hbm>>
      tpu.enqueue_dma source(%arg11 : memref<64x128xf32, #tpu.memory_space<vmem>>) target(%dma_start3A_488 : memref<64x128xf32, #tpu.memory_space<hbm>>) target_semaphore(%arg31 : memref<!tpu.dma_semaphore, #tpu.memory_space<semaphore_mem>>)
      %add3A_489 = arith.constant 2 : i32
      %add3A_490 = arith.addi %add3A_454, %add3A_489 : i32
      %mul3A_491 = arith.constant 64 : i32
      %mul3A_492 = arith.muli %add3A_490, %mul3A_491 : i32
      %dma_wait3A_493 = tpu.memref_slice %arg8[%mul3A_492] : memref<6400xi32, #tpu.memory_space<vmem>> -> memref<64xi32, #tpu.memory_space<vmem>>
      %dma_wait3A_494 = arith.constant 0 : i32
      %dma_wait3A_495 = arith.constant 0 : i32
      %dma_wait3A_496 = tpu.memref_slice %arg4[%dma_wait3A_494, %dma_wait3A_495] : memref<100000x128xf32, #tpu.memory_space<hbm>> -> memref<100000x128xf32, #tpu.memory_space<hbm>>
      tpu.wait_indirect_dma semaphore(%arg22 : memref<!tpu.dma_semaphore, #tpu.memory_space<semaphore_mem>>) src(%dma_wait3A_496 : memref<100000x128xf32, #tpu.memory_space<hbm>>) dst(%arg12 : memref<64x128xf32, #tpu.memory_space<vmem>>)
      %add3A_497 = arith.constant 2 : i32
      %add3A_498 = arith.addi %add3A_454, %add3A_497 : i32
      %mul3A_499 = arith.constant 64 : i32
      %mul3A_500 = arith.muli %add3A_498, %mul3A_499 : i32
      %add3A_501 = arith.addi %mul3A_2, %mul3A_500 : i32
      %dma_start3A_502 = arith.constant 0 : i32
      %dma_start3A_503 = tpu.memref_slice %arg6[%add3A_501, %dma_start3A_502] : memref<204800x128xf32, #tpu.memory_space<hbm>> -> memref<64x128xf32, #tpu.memory_space<hbm>>
      %dma_start3A_504 = arith.constant 0 : i32
      %dma_start3A_505 = tpu.memref_slice %arg6[%add3A_501, %dma_start3A_504] : memref<204800x128xf32, #tpu.memory_space<hbm>> -> memref<64x128xf32, #tpu.memory_space<hbm>>
      tpu.enqueue_dma source(%arg12 : memref<64x128xf32, #tpu.memory_space<vmem>>) target(%dma_start3A_505 : memref<64x128xf32, #tpu.memory_space<hbm>>) target_semaphore(%arg32 : memref<!tpu.dma_semaphore, #tpu.memory_space<semaphore_mem>>)
      %add3A_506 = arith.constant 3 : i32
      %add3A_507 = arith.addi %add3A_454, %add3A_506 : i32
      %mul3A_508 = arith.constant 64 : i32
      %mul3A_509 = arith.muli %add3A_507, %mul3A_508 : i32
      %dma_wait3A_510 = tpu.memref_slice %arg8[%mul3A_509] : memref<6400xi32, #tpu.memory_space<vmem>> -> memref<64xi32, #tpu.memory_space<vmem>>
      %dma_wait3A_511 = arith.constant 0 : i32
      %dma_wait3A_512 = arith.constant 0 : i32
      %dma_wait3A_513 = tpu.memref_slice %arg4[%dma_wait3A_511, %dma_wait3A_512] : memref<100000x128xf32, #tpu.memory_space<hbm>> -> memref<100000x128xf32, #tpu.memory_space<hbm>>
      tpu.wait_indirect_dma semaphore(%arg23 : memref<!tpu.dma_semaphore, #tpu.memory_space<semaphore_mem>>) src(%dma_wait3A_513 : memref<100000x128xf32, #tpu.memory_space<hbm>>) dst(%arg13 : memref<64x128xf32, #tpu.memory_space<vmem>>)
      %add3A_514 = arith.constant 3 : i32
      %add3A_515 = arith.addi %add3A_454, %add3A_514 : i32
      %mul3A_516 = arith.constant 64 : i32
      %mul3A_517 = arith.muli %add3A_515, %mul3A_516 : i32
      %add3A_518 = arith.addi %mul3A_2, %mul3A_517 : i32
      %dma_start3A_519 = arith.constant 0 : i32
      %dma_start3A_520 = tpu.memref_slice %arg6[%add3A_518, %dma_start3A_519] : memref<204800x128xf32, #tpu.memory_space<hbm>> -> memref<64x128xf32, #tpu.memory_space<hbm>>
      %dma_start3A_521 = arith.constant 0 : i32
      %dma_start3A_522 = tpu.memref_slice %arg6[%add3A_518, %dma_start3A_521] : memref<204800x128xf32, #tpu.memory_space<hbm>> -> memref<64x128xf32, #tpu.memory_space<hbm>>
      tpu.enqueue_dma source(%arg13 : memref<64x128xf32, #tpu.memory_space<vmem>>) target(%dma_start3A_522 : memref<64x128xf32, #tpu.memory_space<hbm>>) target_semaphore(%arg33 : memref<!tpu.dma_semaphore, #tpu.memory_space<semaphore_mem>>)
      %add3A_523 = arith.constant 4 : i32
      %add3A_524 = arith.addi %add3A_454, %add3A_523 : i32
      %mul3A_525 = arith.constant 64 : i32
      %mul3A_526 = arith.muli %add3A_524, %mul3A_525 : i32
      %dma_wait3A_527 = tpu.memref_slice %arg8[%mul3A_526] : memref<6400xi32, #tpu.memory_space<vmem>> -> memref<64xi32, #tpu.memory_space<vmem>>
      %dma_wait3A_528 = arith.constant 0 : i32
      %dma_wait3A_529 = arith.constant 0 : i32
      %dma_wait3A_530 = tpu.memref_slice %arg4[%dma_wait3A_528, %dma_wait3A_529] : memref<100000x128xf32, #tpu.memory_space<hbm>> -> memref<100000x128xf32, #tpu.memory_space<hbm>>
      tpu.wait_indirect_dma semaphore(%arg24 : memref<!tpu.dma_semaphore, #tpu.memory_space<semaphore_mem>>) src(%dma_wait3A_530 : memref<100000x128xf32, #tpu.memory_space<hbm>>) dst(%arg14 : memref<64x128xf32, #tpu.memory_space<vmem>>)
      %add3A_531 = arith.constant 4 : i32
      %add3A_532 = arith.addi %add3A_454, %add3A_531 : i32
      %mul3A_533 = arith.constant 64 : i32
      %mul3A_534 = arith.muli %add3A_532, %mul3A_533 : i32
      %add3A_535 = arith.addi %mul3A_2, %mul3A_534 : i32
      %dma_start3A_536 = arith.constant 0 : i32
      %dma_start3A_537 = tpu.memref_slice %arg6[%add3A_535, %dma_start3A_536] : memref<204800x128xf32, #tpu.memory_space<hbm>> -> memref<64x128xf32, #tpu.memory_space<hbm>>
      %dma_start3A_538 = arith.constant 0 : i32
      %dma_start3A_539 = tpu.memref_slice %arg6[%add3A_535, %dma_start3A_538] : memref<204800x128xf32, #tpu.memory_space<hbm>> -> memref<64x128xf32, #tpu.memory_space<hbm>>
      tpu.enqueue_dma source(%arg14 : memref<64x128xf32, #tpu.memory_space<vmem>>) target(%dma_start3A_539 : memref<64x128xf32, #tpu.memory_space<hbm>>) target_semaphore(%arg34 : memref<!tpu.dma_semaphore, #tpu.memory_space<semaphore_mem>>)
      %add3A_540 = arith.constant 5 : i32
      %add3A_541 = arith.addi %add3A_454, %add3A_540 : i32
      %mul3A_542 = arith.constant 64 : i32
      %mul3A_543 = arith.muli %add3A_541, %mul3A_542 : i32
      %dma_wait3A_544 = tpu.memref_slice %arg8[%mul3A_543] : memref<6400xi32, #tpu.memory_space<vmem>> -> memref<64xi32, #tpu.memory_space<vmem>>
      %dma_wait3A_545 = arith.constant 0 : i32
      %dma_wait3A_546 = arith.constant 0 : i32
      %dma_wait3A_547 = tpu.memref_slice %arg4[%dma_wait3A_545, %dma_wait3A_546] : memref<100000x128xf32, #tpu.memory_space<hbm>> -> memref<100000x128xf32, #tpu.memory_space<hbm>>
      tpu.wait_indirect_dma semaphore(%arg25 : memref<!tpu.dma_semaphore, #tpu.memory_space<semaphore_mem>>) src(%dma_wait3A_547 : memref<100000x128xf32, #tpu.memory_space<hbm>>) dst(%arg15 : memref<64x128xf32, #tpu.memory_space<vmem>>)
      %add3A_548 = arith.constant 5 : i32
      %add3A_549 = arith.addi %add3A_454, %add3A_548 : i32
      %mul3A_550 = arith.constant 64 : i32
      %mul3A_551 = arith.muli %add3A_549, %mul3A_550 : i32
      %add3A_552 = arith.addi %mul3A_2, %mul3A_551 : i32
      %dma_start3A_553 = arith.constant 0 : i32
      %dma_start3A_554 = tpu.memref_slice %arg6[%add3A_552, %dma_start3A_553] : memref<204800x128xf32, #tpu.memory_space<hbm>> -> memref<64x128xf32, #tpu.memory_space<hbm>>
      %dma_start3A_555 = arith.constant 0 : i32
      %dma_start3A_556 = tpu.memref_slice %arg6[%add3A_552, %dma_start3A_555] : memref<204800x128xf32, #tpu.memory_space<hbm>> -> memref<64x128xf32, #tpu.memory_space<hbm>>
      tpu.enqueue_dma source(%arg15 : memref<64x128xf32, #tpu.memory_space<vmem>>) target(%dma_start3A_556 : memref<64x128xf32, #tpu.memory_space<hbm>>) target_semaphore(%arg35 : memref<!tpu.dma_semaphore, #tpu.memory_space<semaphore_mem>>)
      %add3A_557 = arith.constant 6 : i32
      %add3A_558 = arith.addi %add3A_454, %add3A_557 : i32
      %mul3A_559 = arith.constant 64 : i32
      %mul3A_560 = arith.muli %add3A_558, %mul3A_559 : i32
      %dma_wait3A_561 = tpu.memref_slice %arg8[%mul3A_560] : memref<6400xi32, #tpu.memory_space<vmem>> -> memref<64xi32, #tpu.memory_space<vmem>>
      %dma_wait3A_562 = arith.constant 0 : i32
      %dma_wait3A_563 = arith.constant 0 : i32
      %dma_wait3A_564 = tpu.memref_slice %arg4[%dma_wait3A_562, %dma_wait3A_563] : memref<100000x128xf32, #tpu.memory_space<hbm>> -> memref<100000x128xf32, #tpu.memory_space<hbm>>
      tpu.wait_indirect_dma semaphore(%arg26 : memref<!tpu.dma_semaphore, #tpu.memory_space<semaphore_mem>>) src(%dma_wait3A_564 : memref<100000x128xf32, #tpu.memory_space<hbm>>) dst(%arg16 : memref<64x128xf32, #tpu.memory_space<vmem>>)
      %add3A_565 = arith.constant 6 : i32
      %add3A_566 = arith.addi %add3A_454, %add3A_565 : i32
      %mul3A_567 = arith.constant 64 : i32
      %mul3A_568 = arith.muli %add3A_566, %mul3A_567 : i32
      %add3A_569 = arith.addi %mul3A_2, %mul3A_568 : i32
      %dma_start3A_570 = arith.constant 0 : i32
      %dma_start3A_571 = tpu.memref_slice %arg6[%add3A_569, %dma_start3A_570] : memref<204800x128xf32, #tpu.memory_space<hbm>> -> memref<64x128xf32, #tpu.memory_space<hbm>>
      %dma_start3A_572 = arith.constant 0 : i32
      %dma_start3A_573 = tpu.memref_slice %arg6[%add3A_569, %dma_start3A_572] : memref<204800x128xf32, #tpu.memory_space<hbm>> -> memref<64x128xf32, #tpu.memory_space<hbm>>
      tpu.enqueue_dma source(%arg16 : memref<64x128xf32, #tpu.memory_space<vmem>>) target(%dma_start3A_573 : memref<64x128xf32, #tpu.memory_space<hbm>>) target_semaphore(%arg36 : memref<!tpu.dma_semaphore, #tpu.memory_space<semaphore_mem>>)
      %add3A_574 = arith.constant 7 : i32
      %add3A_575 = arith.addi %add3A_454, %add3A_574 : i32
      %mul3A_576 = arith.constant 64 : i32
      %mul3A_577 = arith.muli %add3A_575, %mul3A_576 : i32
      %dma_wait3A_578 = tpu.memref_slice %arg8[%mul3A_577] : memref<6400xi32, #tpu.memory_space<vmem>> -> memref<64xi32, #tpu.memory_space<vmem>>
      %dma_wait3A_579 = arith.constant 0 : i32
      %dma_wait3A_580 = arith.constant 0 : i32
      %dma_wait3A_581 = tpu.memref_slice %arg4[%dma_wait3A_579, %dma_wait3A_580] : memref<100000x128xf32, #tpu.memory_space<hbm>> -> memref<100000x128xf32, #tpu.memory_space<hbm>>
      tpu.wait_indirect_dma semaphore(%arg27 : memref<!tpu.dma_semaphore, #tpu.memory_space<semaphore_mem>>) src(%dma_wait3A_581 : memref<100000x128xf32, #tpu.memory_space<hbm>>) dst(%arg17 : memref<64x128xf32, #tpu.memory_space<vmem>>)
      %add3A_582 = arith.constant 7 : i32
      %add3A_583 = arith.addi %add3A_454, %add3A_582 : i32
      %mul3A_584 = arith.constant 64 : i32
      %mul3A_585 = arith.muli %add3A_583, %mul3A_584 : i32
      %add3A_586 = arith.addi %mul3A_2, %mul3A_585 : i32
      %dma_start3A_587 = arith.constant 0 : i32
      %dma_start3A_588 = tpu.memref_slice %arg6[%add3A_586, %dma_start3A_587] : memref<204800x128xf32, #tpu.memory_space<hbm>> -> memref<64x128xf32, #tpu.memory_space<hbm>>
      %dma_start3A_589 = arith.constant 0 : i32
      %dma_start3A_590 = tpu.memref_slice %arg6[%add3A_586, %dma_start3A_589] : memref<204800x128xf32, #tpu.memory_space<hbm>> -> memref<64x128xf32, #tpu.memory_space<hbm>>
      tpu.enqueue_dma source(%arg17 : memref<64x128xf32, #tpu.memory_space<vmem>>) target(%dma_start3A_590 : memref<64x128xf32, #tpu.memory_space<hbm>>) target_semaphore(%arg37 : memref<!tpu.dma_semaphore, #tpu.memory_space<semaphore_mem>>)
      %add3A_591 = arith.constant 8 : i32
      %add3A_592 = arith.addi %add3A_454, %add3A_591 : i32
      %mul3A_593 = arith.constant 64 : i32
      %mul3A_594 = arith.muli %add3A_592, %mul3A_593 : i32
      %dma_wait3A_595 = tpu.memref_slice %arg8[%mul3A_594] : memref<6400xi32, #tpu.memory_space<vmem>> -> memref<64xi32, #tpu.memory_space<vmem>>
      %dma_wait3A_596 = arith.constant 0 : i32
      %dma_wait3A_597 = arith.constant 0 : i32
      %dma_wait3A_598 = tpu.memref_slice %arg4[%dma_wait3A_596, %dma_wait3A_597] : memref<100000x128xf32, #tpu.memory_space<hbm>> -> memref<100000x128xf32, #tpu.memory_space<hbm>>
      tpu.wait_indirect_dma semaphore(%arg28 : memref<!tpu.dma_semaphore, #tpu.memory_space<semaphore_mem>>) src(%dma_wait3A_598 : memref<100000x128xf32, #tpu.memory_space<hbm>>) dst(%arg18 : memref<64x128xf32, #tpu.memory_space<vmem>>)
      %add3A_599 = arith.constant 8 : i32
      %add3A_600 = arith.addi %add3A_454, %add3A_599 : i32
      %mul3A_601 = arith.constant 64 : i32
      %mul3A_602 = arith.muli %add3A_600, %mul3A_601 : i32
      %add3A_603 = arith.addi %mul3A_2, %mul3A_602 : i32
      %dma_start3A_604 = arith.constant 0 : i32
      %dma_start3A_605 = tpu.memref_slice %arg6[%add3A_603, %dma_start3A_604] : memref<204800x128xf32, #tpu.memory_space<hbm>> -> memref<64x128xf32, #tpu.memory_space<hbm>>
      %dma_start3A_606 = arith.constant 0 : i32
      %dma_start3A_607 = tpu.memref_slice %arg6[%add3A_603, %dma_start3A_606] : memref<204800x128xf32, #tpu.memory_space<hbm>> -> memref<64x128xf32, #tpu.memory_space<hbm>>
      tpu.enqueue_dma source(%arg18 : memref<64x128xf32, #tpu.memory_space<vmem>>) target(%dma_start3A_607 : memref<64x128xf32, #tpu.memory_space<hbm>>) target_semaphore(%arg38 : memref<!tpu.dma_semaphore, #tpu.memory_space<semaphore_mem>>)
      %add3A_608 = arith.constant 9 : i32
      %add3A_609 = arith.addi %add3A_454, %add3A_608 : i32
      %mul3A_610 = arith.constant 64 : i32
      %mul3A_611 = arith.muli %add3A_609, %mul3A_610 : i32
      %dma_wait3A_612 = tpu.memref_slice %arg8[%mul3A_611] : memref<6400xi32, #tpu.memory_space<vmem>> -> memref<64xi32, #tpu.memory_space<vmem>>
      %dma_wait3A_613 = arith.constant 0 : i32
      %dma_wait3A_614 = arith.constant 0 : i32
      %dma_wait3A_615 = tpu.memref_slice %arg4[%dma_wait3A_613, %dma_wait3A_614] : memref<100000x128xf32, #tpu.memory_space<hbm>> -> memref<100000x128xf32, #tpu.memory_space<hbm>>
      tpu.wait_indirect_dma semaphore(%arg29 : memref<!tpu.dma_semaphore, #tpu.memory_space<semaphore_mem>>) src(%dma_wait3A_615 : memref<100000x128xf32, #tpu.memory_space<hbm>>) dst(%arg19 : memref<64x128xf32, #tpu.memory_space<vmem>>)
      %add3A_616 = arith.constant 9 : i32
      %add3A_617 = arith.addi %add3A_454, %add3A_616 : i32
      %mul3A_618 = arith.constant 64 : i32
      %mul3A_619 = arith.muli %add3A_617, %mul3A_618 : i32
      %add3A_620 = arith.addi %mul3A_2, %mul3A_619 : i32
      %dma_start3A_621 = arith.constant 0 : i32
      %dma_start3A_622 = tpu.memref_slice %arg6[%add3A_620, %dma_start3A_621] : memref<204800x128xf32, #tpu.memory_space<hbm>> -> memref<64x128xf32, #tpu.memory_space<hbm>>
      %dma_start3A_623 = arith.constant 0 : i32
      %dma_start3A_624 = tpu.memref_slice %arg6[%add3A_620, %dma_start3A_623] : memref<204800x128xf32, #tpu.memory_space<hbm>> -> memref<64x128xf32, #tpu.memory_space<hbm>>
      tpu.enqueue_dma source(%arg19 : memref<64x128xf32, #tpu.memory_space<vmem>>) target(%dma_start3A_624 : memref<64x128xf32, #tpu.memory_space<hbm>>) target_semaphore(%arg39 : memref<!tpu.dma_semaphore, #tpu.memory_space<semaphore_mem>>)
      %add3A_625 = arith.constant 0 : i32
      %add3A_626 = arith.addi %add3A_454, %add3A_625 : i32
      %mul3A_627 = arith.constant 64 : i32
      %mul3A_628 = arith.muli %add3A_626, %mul3A_627 : i32
      %add3A_629 = arith.addi %mul3A_2, %mul3A_628 : i32
      %dma_wait3A_630 = arith.constant 0 : i32
      %dma_wait3A_631 = tpu.memref_slice %arg6[%add3A_629, %dma_wait3A_630] : memref<204800x128xf32, #tpu.memory_space<hbm>> -> memref<64x128xf32, #tpu.memory_space<hbm>>
      %dma_wait3A_632 = arith.constant 0 : i32
      %dma_wait3A_633 = tpu.memref_slice %arg6[%add3A_629, %dma_wait3A_632] : memref<204800x128xf32, #tpu.memory_space<hbm>> -> memref<64x128xf32, #tpu.memory_space<hbm>>
      tpu.wait_dma2 semaphore(%arg30 : memref<!tpu.dma_semaphore, #tpu.memory_space<semaphore_mem>>) src(%arg10 : memref<64x128xf32, #tpu.memory_space<vmem>>) dst(%dma_wait3A_633 : memref<64x128xf32, #tpu.memory_space<hbm>>)
      %add3A_634 = arith.constant 10 : i32
      %add3A_635 = arith.addi %add3A_454, %add3A_634 : i32
      %add3A_636 = arith.constant 0 : i32
      %add3A_637 = arith.addi %add3A_635, %add3A_636 : i32
      %mul3A_638 = arith.constant 64 : i32
      %mul3A_639 = arith.muli %add3A_637, %mul3A_638 : i32
      %dma_start3A_640 = tpu.memref_slice %arg8[%mul3A_639] : memref<6400xi32, #tpu.memory_space<vmem>> -> memref<64xi32, #tpu.memory_space<vmem>>
      %dma_start3A_641 = arith.constant 0 : i32
      %dma_start3A_642 = arith.constant 0 : i32
      %dma_start3A_643 = tpu.memref_slice %arg4[%dma_start3A_641, %dma_start3A_642] : memref<100000x128xf32, #tpu.memory_space<hbm>> -> memref<100000x128xf32, #tpu.memory_space<hbm>>
      tpu.enqueue_indirect_dma source(%dma_start3A_643 : memref<100000x128xf32, #tpu.memory_space<hbm>>) target(%arg10 : memref<64x128xf32, #tpu.memory_space<vmem>>) offsets(%dma_start3A_640 : memref<64xi32, #tpu.memory_space<vmem>>) semaphore(%arg20 : memref<!tpu.dma_semaphore, #tpu.memory_space<semaphore_mem>>)
      %add3A_644 = arith.constant 1 : i32
      %add3A_645 = arith.addi %add3A_454, %add3A_644 : i32
      %mul3A_646 = arith.constant 64 : i32
      %mul3A_647 = arith.muli %add3A_645, %mul3A_646 : i32
      %add3A_648 = arith.addi %mul3A_2, %mul3A_647 : i32
      %dma_wait3A_649 = arith.constant 0 : i32
      %dma_wait3A_650 = tpu.memref_slice %arg6[%add3A_648, %dma_wait3A_649] : memref<204800x128xf32, #tpu.memory_space<hbm>> -> memref<64x128xf32, #tpu.memory_space<hbm>>
      %dma_wait3A_651 = arith.constant 0 : i32
      %dma_wait3A_652 = tpu.memref_slice %arg6[%add3A_648, %dma_wait3A_651] : memref<204800x128xf32, #tpu.memory_space<hbm>> -> memref<64x128xf32, #tpu.memory_space<hbm>>
      tpu.wait_dma2 semaphore(%arg31 : memref<!tpu.dma_semaphore, #tpu.memory_space<semaphore_mem>>) src(%arg11 : memref<64x128xf32, #tpu.memory_space<vmem>>) dst(%dma_wait3A_652 : memref<64x128xf32, #tpu.memory_space<hbm>>)
      %add3A_653 = arith.constant 10 : i32
      %add3A_654 = arith.addi %add3A_454, %add3A_653 : i32
      %add3A_655 = arith.constant 1 : i32
      %add3A_656 = arith.addi %add3A_654, %add3A_655 : i32
      %mul3A_657 = arith.constant 64 : i32
      %mul3A_658 = arith.muli %add3A_656, %mul3A_657 : i32
      %dma_start3A_659 = tpu.memref_slice %arg8[%mul3A_658] : memref<6400xi32, #tpu.memory_space<vmem>> -> memref<64xi32, #tpu.memory_space<vmem>>
      %dma_start3A_660 = arith.constant 0 : i32
      %dma_start3A_661 = arith.constant 0 : i32
      %dma_start3A_662 = tpu.memref_slice %arg4[%dma_start3A_660, %dma_start3A_661] : memref<100000x128xf32, #tpu.memory_space<hbm>> -> memref<100000x128xf32, #tpu.memory_space<hbm>>
      tpu.enqueue_indirect_dma source(%dma_start3A_662 : memref<100000x128xf32, #tpu.memory_space<hbm>>) target(%arg11 : memref<64x128xf32, #tpu.memory_space<vmem>>) offsets(%dma_start3A_659 : memref<64xi32, #tpu.memory_space<vmem>>) semaphore(%arg21 : memref<!tpu.dma_semaphore, #tpu.memory_space<semaphore_mem>>)
      %add3A_663 = arith.constant 2 : i32
      %add3A_664 = arith.addi %add3A_454, %add3A_663 : i32
      %mul3A_665 = arith.constant 64 : i32
      %mul3A_666 = arith.muli %add3A_664, %mul3A_665 : i32
      %add3A_667 = arith.addi %mul3A_2, %mul3A_666 : i32
      %dma_wait3A_668 = arith.constant 0 : i32
      %dma_wait3A_669 = tpu.memref_slice %arg6[%add3A_667, %dma_wait3A_668] : memref<204800x128xf32, #tpu.memory_space<hbm>> -> memref<64x128xf32, #tpu.memory_space<hbm>>
      %dma_wait3A_670 = arith.constant 0 : i32
      %dma_wait3A_671 = tpu.memref_slice %arg6[%add3A_667, %dma_wait3A_670] : memref<204800x128xf32, #tpu.memory_space<hbm>> -> memref<64x128xf32, #tpu.memory_space<hbm>>
      tpu.wait_dma2 semaphore(%arg32 : memref<!tpu.dma_semaphore, #tpu.memory_space<semaphore_mem>>) src(%arg12 : memref<64x128xf32, #tpu.memory_space<vmem>>) dst(%dma_wait3A_671 : memref<64x128xf32, #tpu.memory_space<hbm>>)
      %add3A_672 = arith.constant 10 : i32
      %add3A_673 = arith.addi %add3A_454, %add3A_672 : i32
      %add3A_674 = arith.constant 2 : i32
      %add3A_675 = arith.addi %add3A_673, %add3A_674 : i32
      %mul3A_676 = arith.constant 64 : i32
      %mul3A_677 = arith.muli %add3A_675, %mul3A_676 : i32
      %dma_start3A_678 = tpu.memref_slice %arg8[%mul3A_677] : memref<6400xi32, #tpu.memory_space<vmem>> -> memref<64xi32, #tpu.memory_space<vmem>>
      %dma_start3A_679 = arith.constant 0 : i32
      %dma_start3A_680 = arith.constant 0 : i32
      %dma_start3A_681 = tpu.memref_slice %arg4[%dma_start3A_679, %dma_start3A_680] : memref<100000x128xf32, #tpu.memory_space<hbm>> -> memref<100000x128xf32, #tpu.memory_space<hbm>>
      tpu.enqueue_indirect_dma source(%dma_start3A_681 : memref<100000x128xf32, #tpu.memory_space<hbm>>) target(%arg12 : memref<64x128xf32, #tpu.memory_space<vmem>>) offsets(%dma_start3A_678 : memref<64xi32, #tpu.memory_space<vmem>>) semaphore(%arg22 : memref<!tpu.dma_semaphore, #tpu.memory_space<semaphore_mem>>)
      %add3A_682 = arith.constant 3 : i32
      %add3A_683 = arith.addi %add3A_454, %add3A_682 : i32
      %mul3A_684 = arith.constant 64 : i32
      %mul3A_685 = arith.muli %add3A_683, %mul3A_684 : i32
      %add3A_686 = arith.addi %mul3A_2, %mul3A_685 : i32
      %dma_wait3A_687 = arith.constant 0 : i32
      %dma_wait3A_688 = tpu.memref_slice %arg6[%add3A_686, %dma_wait3A_687] : memref<204800x128xf32, #tpu.memory_space<hbm>> -> memref<64x128xf32, #tpu.memory_space<hbm>>
      %dma_wait3A_689 = arith.constant 0 : i32
      %dma_wait3A_690 = tpu.memref_slice %arg6[%add3A_686, %dma_wait3A_689] : memref<204800x128xf32, #tpu.memory_space<hbm>> -> memref<64x128xf32, #tpu.memory_space<hbm>>
      tpu.wait_dma2 semaphore(%arg33 : memref<!tpu.dma_semaphore, #tpu.memory_space<semaphore_mem>>) src(%arg13 : memref<64x128xf32, #tpu.memory_space<vmem>>) dst(%dma_wait3A_690 : memref<64x128xf32, #tpu.memory_space<hbm>>)
      %add3A_691 = arith.constant 10 : i32
      %add3A_692 = arith.addi %add3A_454, %add3A_691 : i32
      %add3A_693 = arith.constant 3 : i32
      %add3A_694 = arith.addi %add3A_692, %add3A_693 : i32
      %mul3A_695 = arith.constant 64 : i32
      %mul3A_696 = arith.muli %add3A_694, %mul3A_695 : i32
      %dma_start3A_697 = tpu.memref_slice %arg8[%mul3A_696] : memref<6400xi32, #tpu.memory_space<vmem>> -> memref<64xi32, #tpu.memory_space<vmem>>
      %dma_start3A_698 = arith.constant 0 : i32
      %dma_start3A_699 = arith.constant 0 : i32
      %dma_start3A_700 = tpu.memref_slice %arg4[%dma_start3A_698, %dma_start3A_699] : memref<100000x128xf32, #tpu.memory_space<hbm>> -> memref<100000x128xf32, #tpu.memory_space<hbm>>
      tpu.enqueue_indirect_dma source(%dma_start3A_700 : memref<100000x128xf32, #tpu.memory_space<hbm>>) target(%arg13 : memref<64x128xf32, #tpu.memory_space<vmem>>) offsets(%dma_start3A_697 : memref<64xi32, #tpu.memory_space<vmem>>) semaphore(%arg23 : memref<!tpu.dma_semaphore, #tpu.memory_space<semaphore_mem>>)
      %add3A_701 = arith.constant 4 : i32
      %add3A_702 = arith.addi %add3A_454, %add3A_701 : i32
      %mul3A_703 = arith.constant 64 : i32
      %mul3A_704 = arith.muli %add3A_702, %mul3A_703 : i32
      %add3A_705 = arith.addi %mul3A_2, %mul3A_704 : i32
      %dma_wait3A_706 = arith.constant 0 : i32
      %dma_wait3A_707 = tpu.memref_slice %arg6[%add3A_705, %dma_wait3A_706] : memref<204800x128xf32, #tpu.memory_space<hbm>> -> memref<64x128xf32, #tpu.memory_space<hbm>>
      %dma_wait3A_708 = arith.constant 0 : i32
      %dma_wait3A_709 = tpu.memref_slice %arg6[%add3A_705, %dma_wait3A_708] : memref<204800x128xf32, #tpu.memory_space<hbm>> -> memref<64x128xf32, #tpu.memory_space<hbm>>
      tpu.wait_dma2 semaphore(%arg34 : memref<!tpu.dma_semaphore, #tpu.memory_space<semaphore_mem>>) src(%arg14 : memref<64x128xf32, #tpu.memory_space<vmem>>) dst(%dma_wait3A_709 : memref<64x128xf32, #tpu.memory_space<hbm>>)
      %add3A_710 = arith.constant 10 : i32
      %add3A_711 = arith.addi %add3A_454, %add3A_710 : i32
      %add3A_712 = arith.constant 4 : i32
      %add3A_713 = arith.addi %add3A_711, %add3A_712 : i32
      %mul3A_714 = arith.constant 64 : i32
      %mul3A_715 = arith.muli %add3A_713, %mul3A_714 : i32
      %dma_start3A_716 = tpu.memref_slice %arg8[%mul3A_715] : memref<6400xi32, #tpu.memory_space<vmem>> -> memref<64xi32, #tpu.memory_space<vmem>>
      %dma_start3A_717 = arith.constant 0 : i32
      %dma_start3A_718 = arith.constant 0 : i32
      %dma_start3A_719 = tpu.memref_slice %arg4[%dma_start3A_717, %dma_start3A_718] : memref<100000x128xf32, #tpu.memory_space<hbm>> -> memref<100000x128xf32, #tpu.memory_space<hbm>>
      tpu.enqueue_indirect_dma source(%dma_start3A_719 : memref<100000x128xf32, #tpu.memory_space<hbm>>) target(%arg14 : memref<64x128xf32, #tpu.memory_space<vmem>>) offsets(%dma_start3A_716 : memref<64xi32, #tpu.memory_space<vmem>>) semaphore(%arg24 : memref<!tpu.dma_semaphore, #tpu.memory_space<semaphore_mem>>)
      %add3A_720 = arith.constant 5 : i32
      %add3A_721 = arith.addi %add3A_454, %add3A_720 : i32
      %mul3A_722 = arith.constant 64 : i32
      %mul3A_723 = arith.muli %add3A_721, %mul3A_722 : i32
      %add3A_724 = arith.addi %mul3A_2, %mul3A_723 : i32
      %dma_wait3A_725 = arith.constant 0 : i32
      %dma_wait3A_726 = tpu.memref_slice %arg6[%add3A_724, %dma_wait3A_725] : memref<204800x128xf32, #tpu.memory_space<hbm>> -> memref<64x128xf32, #tpu.memory_space<hbm>>
      %dma_wait3A_727 = arith.constant 0 : i32
      %dma_wait3A_728 = tpu.memref_slice %arg6[%add3A_724, %dma_wait3A_727] : memref<204800x128xf32, #tpu.memory_space<hbm>> -> memref<64x128xf32, #tpu.memory_space<hbm>>
      tpu.wait_dma2 semaphore(%arg35 : memref<!tpu.dma_semaphore, #tpu.memory_space<semaphore_mem>>) src(%arg15 : memref<64x128xf32, #tpu.memory_space<vmem>>) dst(%dma_wait3A_728 : memref<64x128xf32, #tpu.memory_space<hbm>>)
      %add3A_729 = arith.constant 10 : i32
      %add3A_730 = arith.addi %add3A_454, %add3A_729 : i32
      %add3A_731 = arith.constant 5 : i32
      %add3A_732 = arith.addi %add3A_730, %add3A_731 : i32
      %mul3A_733 = arith.constant 64 : i32
      %mul3A_734 = arith.muli %add3A_732, %mul3A_733 : i32
      %dma_start3A_735 = tpu.memref_slice %arg8[%mul3A_734] : memref<6400xi32, #tpu.memory_space<vmem>> -> memref<64xi32, #tpu.memory_space<vmem>>
      %dma_start3A_736 = arith.constant 0 : i32
      %dma_start3A_737 = arith.constant 0 : i32
      %dma_start3A_738 = tpu.memref_slice %arg4[%dma_start3A_736, %dma_start3A_737] : memref<100000x128xf32, #tpu.memory_space<hbm>> -> memref<100000x128xf32, #tpu.memory_space<hbm>>
      tpu.enqueue_indirect_dma source(%dma_start3A_738 : memref<100000x128xf32, #tpu.memory_space<hbm>>) target(%arg15 : memref<64x128xf32, #tpu.memory_space<vmem>>) offsets(%dma_start3A_735 : memref<64xi32, #tpu.memory_space<vmem>>) semaphore(%arg25 : memref<!tpu.dma_semaphore, #tpu.memory_space<semaphore_mem>>)
      %add3A_739 = arith.constant 6 : i32
      %add3A_740 = arith.addi %add3A_454, %add3A_739 : i32
      %mul3A_741 = arith.constant 64 : i32
      %mul3A_742 = arith.muli %add3A_740, %mul3A_741 : i32
      %add3A_743 = arith.addi %mul3A_2, %mul3A_742 : i32
      %dma_wait3A_744 = arith.constant 0 : i32
      %dma_wait3A_745 = tpu.memref_slice %arg6[%add3A_743, %dma_wait3A_744] : memref<204800x128xf32, #tpu.memory_space<hbm>> -> memref<64x128xf32, #tpu.memory_space<hbm>>
      %dma_wait3A_746 = arith.constant 0 : i32
      %dma_wait3A_747 = tpu.memref_slice %arg6[%add3A_743, %dma_wait3A_746] : memref<204800x128xf32, #tpu.memory_space<hbm>> -> memref<64x128xf32, #tpu.memory_space<hbm>>
      tpu.wait_dma2 semaphore(%arg36 : memref<!tpu.dma_semaphore, #tpu.memory_space<semaphore_mem>>) src(%arg16 : memref<64x128xf32, #tpu.memory_space<vmem>>) dst(%dma_wait3A_747 : memref<64x128xf32, #tpu.memory_space<hbm>>)
      %add3A_748 = arith.constant 10 : i32
      %add3A_749 = arith.addi %add3A_454, %add3A_748 : i32
      %add3A_750 = arith.constant 6 : i32
      %add3A_751 = arith.addi %add3A_749, %add3A_750 : i32
      %mul3A_752 = arith.constant 64 : i32
      %mul3A_753 = arith.muli %add3A_751, %mul3A_752 : i32
      %dma_start3A_754 = tpu.memref_slice %arg8[%mul3A_753] : memref<6400xi32, #tpu.memory_space<vmem>> -> memref<64xi32, #tpu.memory_space<vmem>>
      %dma_start3A_755 = arith.constant 0 : i32
      %dma_start3A_756 = arith.constant 0 : i32
      %dma_start3A_757 = tpu.memref_slice %arg4[%dma_start3A_755, %dma_start3A_756] : memref<100000x128xf32, #tpu.memory_space<hbm>> -> memref<100000x128xf32, #tpu.memory_space<hbm>>
      tpu.enqueue_indirect_dma source(%dma_start3A_757 : memref<100000x128xf32, #tpu.memory_space<hbm>>) target(%arg16 : memref<64x128xf32, #tpu.memory_space<vmem>>) offsets(%dma_start3A_754 : memref<64xi32, #tpu.memory_space<vmem>>) semaphore(%arg26 : memref<!tpu.dma_semaphore, #tpu.memory_space<semaphore_mem>>)
      %add3A_758 = arith.constant 7 : i32
      %add3A_759 = arith.addi %add3A_454, %add3A_758 : i32
      %mul3A_760 = arith.constant 64 : i32
      %mul3A_761 = arith.muli %add3A_759, %mul3A_760 : i32
      %add3A_762 = arith.addi %mul3A_2, %mul3A_761 : i32
      %dma_wait3A_763 = arith.constant 0 : i32
      %dma_wait3A_764 = tpu.memref_slice %arg6[%add3A_762, %dma_wait3A_763] : memref<204800x128xf32, #tpu.memory_space<hbm>> -> memref<64x128xf32, #tpu.memory_space<hbm>>
      %dma_wait3A_765 = arith.constant 0 : i32
      %dma_wait3A_766 = tpu.memref_slice %arg6[%add3A_762, %dma_wait3A_765] : memref<204800x128xf32, #tpu.memory_space<hbm>> -> memref<64x128xf32, #tpu.memory_space<hbm>>
      tpu.wait_dma2 semaphore(%arg37 : memref<!tpu.dma_semaphore, #tpu.memory_space<semaphore_mem>>) src(%arg17 : memref<64x128xf32, #tpu.memory_space<vmem>>) dst(%dma_wait3A_766 : memref<64x128xf32, #tpu.memory_space<hbm>>)
      %add3A_767 = arith.constant 10 : i32
      %add3A_768 = arith.addi %add3A_454, %add3A_767 : i32
      %add3A_769 = arith.constant 7 : i32
      %add3A_770 = arith.addi %add3A_768, %add3A_769 : i32
      %mul3A_771 = arith.constant 64 : i32
      %mul3A_772 = arith.muli %add3A_770, %mul3A_771 : i32
      %dma_start3A_773 = tpu.memref_slice %arg8[%mul3A_772] : memref<6400xi32, #tpu.memory_space<vmem>> -> memref<64xi32, #tpu.memory_space<vmem>>
      %dma_start3A_774 = arith.constant 0 : i32
      %dma_start3A_775 = arith.constant 0 : i32
      %dma_start3A_776 = tpu.memref_slice %arg4[%dma_start3A_774, %dma_start3A_775] : memref<100000x128xf32, #tpu.memory_space<hbm>> -> memref<100000x128xf32, #tpu.memory_space<hbm>>
      tpu.enqueue_indirect_dma source(%dma_start3A_776 : memref<100000x128xf32, #tpu.memory_space<hbm>>) target(%arg17 : memref<64x128xf32, #tpu.memory_space<vmem>>) offsets(%dma_start3A_773 : memref<64xi32, #tpu.memory_space<vmem>>) semaphore(%arg27 : memref<!tpu.dma_semaphore, #tpu.memory_space<semaphore_mem>>)
      %add3A_777 = arith.constant 8 : i32
      %add3A_778 = arith.addi %add3A_454, %add3A_777 : i32
      %mul3A_779 = arith.constant 64 : i32
      %mul3A_780 = arith.muli %add3A_778, %mul3A_779 : i32
      %add3A_781 = arith.addi %mul3A_2, %mul3A_780 : i32
      %dma_wait3A_782 = arith.constant 0 : i32
      %dma_wait3A_783 = tpu.memref_slice %arg6[%add3A_781, %dma_wait3A_782] : memref<204800x128xf32, #tpu.memory_space<hbm>> -> memref<64x128xf32, #tpu.memory_space<hbm>>
      %dma_wait3A_784 = arith.constant 0 : i32
      %dma_wait3A_785 = tpu.memref_slice %arg6[%add3A_781, %dma_wait3A_784] : memref<204800x128xf32, #tpu.memory_space<hbm>> -> memref<64x128xf32, #tpu.memory_space<hbm>>
      tpu.wait_dma2 semaphore(%arg38 : memref<!tpu.dma_semaphore, #tpu.memory_space<semaphore_mem>>) src(%arg18 : memref<64x128xf32, #tpu.memory_space<vmem>>) dst(%dma_wait3A_785 : memref<64x128xf32, #tpu.memory_space<hbm>>)
      %add3A_786 = arith.constant 10 : i32
      %add3A_787 = arith.addi %add3A_454, %add3A_786 : i32
      %add3A_788 = arith.constant 8 : i32
      %add3A_789 = arith.addi %add3A_787, %add3A_788 : i32
      %mul3A_790 = arith.constant 64 : i32
      %mul3A_791 = arith.muli %add3A_789, %mul3A_790 : i32
      %dma_start3A_792 = tpu.memref_slice %arg8[%mul3A_791] : memref<6400xi32, #tpu.memory_space<vmem>> -> memref<64xi32, #tpu.memory_space<vmem>>
      %dma_start3A_793 = arith.constant 0 : i32
      %dma_start3A_794 = arith.constant 0 : i32
      %dma_start3A_795 = tpu.memref_slice %arg4[%dma_start3A_793, %dma_start3A_794] : memref<100000x128xf32, #tpu.memory_space<hbm>> -> memref<100000x128xf32, #tpu.memory_space<hbm>>
      tpu.enqueue_indirect_dma source(%dma_start3A_795 : memref<100000x128xf32, #tpu.memory_space<hbm>>) target(%arg18 : memref<64x128xf32, #tpu.memory_space<vmem>>) offsets(%dma_start3A_792 : memref<64xi32, #tpu.memory_space<vmem>>) semaphore(%arg28 : memref<!tpu.dma_semaphore, #tpu.memory_space<semaphore_mem>>)
      %add3A_796 = arith.constant 9 : i32
      %add3A_797 = arith.addi %add3A_454, %add3A_796 : i32
      %mul3A_798 = arith.constant 64 : i32
      %mul3A_799 = arith.muli %add3A_797, %mul3A_798 : i32
      %add3A_800 = arith.addi %mul3A_2, %mul3A_799 : i32
      %dma_wait3A_801 = arith.constant 0 : i32
      %dma_wait3A_802 = tpu.memref_slice %arg6[%add3A_800, %dma_wait3A_801] : memref<204800x128xf32, #tpu.memory_space<hbm>> -> memref<64x128xf32, #tpu.memory_space<hbm>>
      %dma_wait3A_803 = arith.constant 0 : i32
      %dma_wait3A_804 = tpu.memref_slice %arg6[%add3A_800, %dma_wait3A_803] : memref<204800x128xf32, #tpu.memory_space<hbm>> -> memref<64x128xf32, #tpu.memory_space<hbm>>
      tpu.wait_dma2 semaphore(%arg39 : memref<!tpu.dma_semaphore, #tpu.memory_space<semaphore_mem>>) src(%arg19 : memref<64x128xf32, #tpu.memory_space<vmem>>) dst(%dma_wait3A_804 : memref<64x128xf32, #tpu.memory_space<hbm>>)
      %add3A_805 = arith.constant 10 : i32
      %add3A_806 = arith.addi %add3A_454, %add3A_805 : i32
      %add3A_807 = arith.constant 9 : i32
      %add3A_808 = arith.addi %add3A_806, %add3A_807 : i32
      %mul3A_809 = arith.constant 64 : i32
      %mul3A_810 = arith.muli %add3A_808, %mul3A_809 : i32
      %dma_start3A_811 = tpu.memref_slice %arg8[%mul3A_810] : memref<6400xi32, #tpu.memory_space<vmem>> -> memref<64xi32, #tpu.memory_space<vmem>>
      %dma_start3A_812 = arith.constant 0 : i32
      %dma_start3A_813 = arith.constant 0 : i32
      %dma_start3A_814 = tpu.memref_slice %arg4[%dma_start3A_812, %dma_start3A_813] : memref<100000x128xf32, #tpu.memory_space<hbm>> -> memref<100000x128xf32, #tpu.memory_space<hbm>>
      tpu.enqueue_indirect_dma source(%dma_start3A_814 : memref<100000x128xf32, #tpu.memory_space<hbm>>) target(%arg19 : memref<64x128xf32, #tpu.memory_space<vmem>>) offsets(%dma_start3A_811 : memref<64xi32, #tpu.memory_space<vmem>>) semaphore(%arg29 : memref<!tpu.dma_semaphore, #tpu.memory_space<semaphore_mem>>)
    }
    %scan3A_55 = arith.constant 9 : i32
    %dma_wait3A = arith.constant 5760 : i32
    %dma_wait3A_56 = tpu.memref_slice %arg8[%dma_wait3A] : memref<6400xi32, #tpu.memory_space<vmem>> -> memref<64xi32, #tpu.memory_space<vmem>>
    %dma_wait3A_57 = arith.constant 0 : i32
    %dma_wait3A_58 = arith.constant 0 : i32
    %dma_wait3A_59 = tpu.memref_slice %arg4[%dma_wait3A_57, %dma_wait3A_58] : memref<100000x128xf32, #tpu.memory_space<hbm>> -> memref<100000x128xf32, #tpu.memory_space<hbm>>
    tpu.wait_indirect_dma semaphore(%arg20 : memref<!tpu.dma_semaphore, #tpu.memory_space<semaphore_mem>>) src(%dma_wait3A_59 : memref<100000x128xf32, #tpu.memory_space<hbm>>) dst(%arg10 : memref<64x128xf32, #tpu.memory_space<vmem>>)
    %add3A_60 = arith.constant 5760 : i32
    %add3A_61 = arith.addi %mul3A_2, %add3A_60 : i32
    %dma_start3A_62 = arith.constant 0 : i32
    %dma_start3A_63 = tpu.memref_slice %arg6[%add3A_61, %dma_start3A_62] : memref<204800x128xf32, #tpu.memory_space<hbm>> -> memref<64x128xf32, #tpu.memory_space<hbm>>
    %dma_start3A_64 = arith.constant 0 : i32
    %dma_start3A_65 = tpu.memref_slice %arg6[%add3A_61, %dma_start3A_64] : memref<204800x128xf32, #tpu.memory_space<hbm>> -> memref<64x128xf32, #tpu.memory_space<hbm>>
    tpu.enqueue_dma source(%arg10 : memref<64x128xf32, #tpu.memory_space<vmem>>) target(%dma_start3A_65 : memref<64x128xf32, #tpu.memory_space<hbm>>) target_semaphore(%arg30 : memref<!tpu.dma_semaphore, #tpu.memory_space<semaphore_mem>>)
    %dma_wait3A_66 = arith.constant 5824 : i32
    %dma_wait3A_67 = tpu.memref_slice %arg8[%dma_wait3A_66] : memref<6400xi32, #tpu.memory_space<vmem>> -> memref<64xi32, #tpu.memory_space<vmem>>
    %dma_wait3A_68 = arith.constant 0 : i32
    %dma_wait3A_69 = arith.constant 0 : i32
    %dma_wait3A_70 = tpu.memref_slice %arg4[%dma_wait3A_68, %dma_wait3A_69] : memref<100000x128xf32, #tpu.memory_space<hbm>> -> memref<100000x128xf32, #tpu.memory_space<hbm>>
    tpu.wait_indirect_dma semaphore(%arg21 : memref<!tpu.dma_semaphore, #tpu.memory_space<semaphore_mem>>) src(%dma_wait3A_70 : memref<100000x128xf32, #tpu.memory_space<hbm>>) dst(%arg11 : memref<64x128xf32, #tpu.memory_space<vmem>>)
    %add3A_71 = arith.constant 5824 : i32
    %add3A_72 = arith.addi %mul3A_2, %add3A_71 : i32
    %dma_start3A_73 = arith.constant 0 : i32
    %dma_start3A_74 = tpu.memref_slice %arg6[%add3A_72, %dma_start3A_73] : memref<204800x128xf32, #tpu.memory_space<hbm>> -> memref<64x128xf32, #tpu.memory_space<hbm>>
    %dma_start3A_75 = arith.constant 0 : i32
    %dma_start3A_76 = tpu.memref_slice %arg6[%add3A_72, %dma_start3A_75] : memref<204800x128xf32, #tpu.memory_space<hbm>> -> memref<64x128xf32, #tpu.memory_space<hbm>>
    tpu.enqueue_dma source(%arg11 : memref<64x128xf32, #tpu.memory_space<vmem>>) target(%dma_start3A_76 : memref<64x128xf32, #tpu.memory_space<hbm>>) target_semaphore(%arg31 : memref<!tpu.dma_semaphore, #tpu.memory_space<semaphore_mem>>)
    %dma_wait3A_77 = arith.constant 5888 : i32
    %dma_wait3A_78 = tpu.memref_slice %arg8[%dma_wait3A_77] : memref<6400xi32, #tpu.memory_space<vmem>> -> memref<64xi32, #tpu.memory_space<vmem>>
    %dma_wait3A_79 = arith.constant 0 : i32
    %dma_wait3A_80 = arith.constant 0 : i32
    %dma_wait3A_81 = tpu.memref_slice %arg4[%dma_wait3A_79, %dma_wait3A_80] : memref<100000x128xf32, #tpu.memory_space<hbm>> -> memref<100000x128xf32, #tpu.memory_space<hbm>>
    tpu.wait_indirect_dma semaphore(%arg22 : memref<!tpu.dma_semaphore, #tpu.memory_space<semaphore_mem>>) src(%dma_wait3A_81 : memref<100000x128xf32, #tpu.memory_space<hbm>>) dst(%arg12 : memref<64x128xf32, #tpu.memory_space<vmem>>)
    %add3A_82 = arith.constant 5888 : i32
    %add3A_83 = arith.addi %mul3A_2, %add3A_82 : i32
    %dma_start3A_84 = arith.constant 0 : i32
    %dma_start3A_85 = tpu.memref_slice %arg6[%add3A_83, %dma_start3A_84] : memref<204800x128xf32, #tpu.memory_space<hbm>> -> memref<64x128xf32, #tpu.memory_space<hbm>>
    %dma_start3A_86 = arith.constant 0 : i32
    %dma_start3A_87 = tpu.memref_slice %arg6[%add3A_83, %dma_start3A_86] : memref<204800x128xf32, #tpu.memory_space<hbm>> -> memref<64x128xf32, #tpu.memory_space<hbm>>
    tpu.enqueue_dma source(%arg12 : memref<64x128xf32, #tpu.memory_space<vmem>>) target(%dma_start3A_87 : memref<64x128xf32, #tpu.memory_space<hbm>>) target_semaphore(%arg32 : memref<!tpu.dma_semaphore, #tpu.memory_space<semaphore_mem>>)
    %dma_wait3A_88 = arith.constant 5952 : i32
    %dma_wait3A_89 = tpu.memref_slice %arg8[%dma_wait3A_88] : memref<6400xi32, #tpu.memory_space<vmem>> -> memref<64xi32, #tpu.memory_space<vmem>>
    %dma_wait3A_90 = arith.constant 0 : i32
    %dma_wait3A_91 = arith.constant 0 : i32
    %dma_wait3A_92 = tpu.memref_slice %arg4[%dma_wait3A_90, %dma_wait3A_91] : memref<100000x128xf32, #tpu.memory_space<hbm>> -> memref<100000x128xf32, #tpu.memory_space<hbm>>
    tpu.wait_indirect_dma semaphore(%arg23 : memref<!tpu.dma_semaphore, #tpu.memory_space<semaphore_mem>>) src(%dma_wait3A_92 : memref<100000x128xf32, #tpu.memory_space<hbm>>) dst(%arg13 : memref<64x128xf32, #tpu.memory_space<vmem>>)
    %add3A_93 = arith.constant 5952 : i32
    %add3A_94 = arith.addi %mul3A_2, %add3A_93 : i32
    %dma_start3A_95 = arith.constant 0 : i32
    %dma_start3A_96 = tpu.memref_slice %arg6[%add3A_94, %dma_start3A_95] : memref<204800x128xf32, #tpu.memory_space<hbm>> -> memref<64x128xf32, #tpu.memory_space<hbm>>
    %dma_start3A_97 = arith.constant 0 : i32
    %dma_start3A_98 = tpu.memref_slice %arg6[%add3A_94, %dma_start3A_97] : memref<204800x128xf32, #tpu.memory_space<hbm>> -> memref<64x128xf32, #tpu.memory_space<hbm>>
    tpu.enqueue_dma source(%arg13 : memref<64x128xf32, #tpu.memory_space<vmem>>) target(%dma_start3A_98 : memref<64x128xf32, #tpu.memory_space<hbm>>) target_semaphore(%arg33 : memref<!tpu.dma_semaphore, #tpu.memory_space<semaphore_mem>>)
    %dma_wait3A_99 = arith.constant 6016 : i32
    %dma_wait3A_100 = tpu.memref_slice %arg8[%dma_wait3A_99] : memref<6400xi32, #tpu.memory_space<vmem>> -> memref<64xi32, #tpu.memory_space<vmem>>
    %dma_wait3A_101 = arith.constant 0 : i32
    %dma_wait3A_102 = arith.constant 0 : i32
    %dma_wait3A_103 = tpu.memref_slice %arg4[%dma_wait3A_101, %dma_wait3A_102] : memref<100000x128xf32, #tpu.memory_space<hbm>> -> memref<100000x128xf32, #tpu.memory_space<hbm>>
    tpu.wait_indirect_dma semaphore(%arg24 : memref<!tpu.dma_semaphore, #tpu.memory_space<semaphore_mem>>) src(%dma_wait3A_103 : memref<100000x128xf32, #tpu.memory_space<hbm>>) dst(%arg14 : memref<64x128xf32, #tpu.memory_space<vmem>>)
    %add3A_104 = arith.constant 6016 : i32
    %add3A_105 = arith.addi %mul3A_2, %add3A_104 : i32
    %dma_start3A_106 = arith.constant 0 : i32
    %dma_start3A_107 = tpu.memref_slice %arg6[%add3A_105, %dma_start3A_106] : memref<204800x128xf32, #tpu.memory_space<hbm>> -> memref<64x128xf32, #tpu.memory_space<hbm>>
    %dma_start3A_108 = arith.constant 0 : i32
    %dma_start3A_109 = tpu.memref_slice %arg6[%add3A_105, %dma_start3A_108] : memref<204800x128xf32, #tpu.memory_space<hbm>> -> memref<64x128xf32, #tpu.memory_space<hbm>>
    tpu.enqueue_dma source(%arg14 : memref<64x128xf32, #tpu.memory_space<vmem>>) target(%dma_start3A_109 : memref<64x128xf32, #tpu.memory_space<hbm>>) target_semaphore(%arg34 : memref<!tpu.dma_semaphore, #tpu.memory_space<semaphore_mem>>)
    %dma_wait3A_110 = arith.constant 6080 : i32
    %dma_wait3A_111 = tpu.memref_slice %arg8[%dma_wait3A_110] : memref<6400xi32, #tpu.memory_space<vmem>> -> memref<64xi32, #tpu.memory_space<vmem>>
    %dma_wait3A_112 = arith.constant 0 : i32
    %dma_wait3A_113 = arith.constant 0 : i32
    %dma_wait3A_114 = tpu.memref_slice %arg4[%dma_wait3A_112, %dma_wait3A_113] : memref<100000x128xf32, #tpu.memory_space<hbm>> -> memref<100000x128xf32, #tpu.memory_space<hbm>>
    tpu.wait_indirect_dma semaphore(%arg25 : memref<!tpu.dma_semaphore, #tpu.memory_space<semaphore_mem>>) src(%dma_wait3A_114 : memref<100000x128xf32, #tpu.memory_space<hbm>>) dst(%arg15 : memref<64x128xf32, #tpu.memory_space<vmem>>)
    %add3A_115 = arith.constant 6080 : i32
    %add3A_116 = arith.addi %mul3A_2, %add3A_115 : i32
    %dma_start3A_117 = arith.constant 0 : i32
    %dma_start3A_118 = tpu.memref_slice %arg6[%add3A_116, %dma_start3A_117] : memref<204800x128xf32, #tpu.memory_space<hbm>> -> memref<64x128xf32, #tpu.memory_space<hbm>>
    %dma_start3A_119 = arith.constant 0 : i32
    %dma_start3A_120 = tpu.memref_slice %arg6[%add3A_116, %dma_start3A_119] : memref<204800x128xf32, #tpu.memory_space<hbm>> -> memref<64x128xf32, #tpu.memory_space<hbm>>
    tpu.enqueue_dma source(%arg15 : memref<64x128xf32, #tpu.memory_space<vmem>>) target(%dma_start3A_120 : memref<64x128xf32, #tpu.memory_space<hbm>>) target_semaphore(%arg35 : memref<!tpu.dma_semaphore, #tpu.memory_space<semaphore_mem>>)
    %dma_wait3A_121 = arith.constant 6144 : i32
    %dma_wait3A_122 = tpu.memref_slice %arg8[%dma_wait3A_121] : memref<6400xi32, #tpu.memory_space<vmem>> -> memref<64xi32, #tpu.memory_space<vmem>>
    %dma_wait3A_123 = arith.constant 0 : i32
    %dma_wait3A_124 = arith.constant 0 : i32
    %dma_wait3A_125 = tpu.memref_slice %arg4[%dma_wait3A_123, %dma_wait3A_124] : memref<100000x128xf32, #tpu.memory_space<hbm>> -> memref<100000x128xf32, #tpu.memory_space<hbm>>
    tpu.wait_indirect_dma semaphore(%arg26 : memref<!tpu.dma_semaphore, #tpu.memory_space<semaphore_mem>>) src(%dma_wait3A_125 : memref<100000x128xf32, #tpu.memory_space<hbm>>) dst(%arg16 : memref<64x128xf32, #tpu.memory_space<vmem>>)
    %add3A_126 = arith.constant 6144 : i32
    %add3A_127 = arith.addi %mul3A_2, %add3A_126 : i32
    %dma_start3A_128 = arith.constant 0 : i32
    %dma_start3A_129 = tpu.memref_slice %arg6[%add3A_127, %dma_start3A_128] : memref<204800x128xf32, #tpu.memory_space<hbm>> -> memref<64x128xf32, #tpu.memory_space<hbm>>
    %dma_start3A_130 = arith.constant 0 : i32
    %dma_start3A_131 = tpu.memref_slice %arg6[%add3A_127, %dma_start3A_130] : memref<204800x128xf32, #tpu.memory_space<hbm>> -> memref<64x128xf32, #tpu.memory_space<hbm>>
    tpu.enqueue_dma source(%arg16 : memref<64x128xf32, #tpu.memory_space<vmem>>) target(%dma_start3A_131 : memref<64x128xf32, #tpu.memory_space<hbm>>) target_semaphore(%arg36 : memref<!tpu.dma_semaphore, #tpu.memory_space<semaphore_mem>>)
    %dma_wait3A_132 = arith.constant 6208 : i32
    %dma_wait3A_133 = tpu.memref_slice %arg8[%dma_wait3A_132] : memref<6400xi32, #tpu.memory_space<vmem>> -> memref<64xi32, #tpu.memory_space<vmem>>
    %dma_wait3A_134 = arith.constant 0 : i32
    %dma_wait3A_135 = arith.constant 0 : i32
    %dma_wait3A_136 = tpu.memref_slice %arg4[%dma_wait3A_134, %dma_wait3A_135] : memref<100000x128xf32, #tpu.memory_space<hbm>> -> memref<100000x128xf32, #tpu.memory_space<hbm>>
    tpu.wait_indirect_dma semaphore(%arg27 : memref<!tpu.dma_semaphore, #tpu.memory_space<semaphore_mem>>) src(%dma_wait3A_136 : memref<100000x128xf32, #tpu.memory_space<hbm>>) dst(%arg17 : memref<64x128xf32, #tpu.memory_space<vmem>>)
    %add3A_137 = arith.constant 6208 : i32
    %add3A_138 = arith.addi %mul3A_2, %add3A_137 : i32
    %dma_start3A_139 = arith.constant 0 : i32
    %dma_start3A_140 = tpu.memref_slice %arg6[%add3A_138, %dma_start3A_139] : memref<204800x128xf32, #tpu.memory_space<hbm>> -> memref<64x128xf32, #tpu.memory_space<hbm>>
    %dma_start3A_141 = arith.constant 0 : i32
    %dma_start3A_142 = tpu.memref_slice %arg6[%add3A_138, %dma_start3A_141] : memref<204800x128xf32, #tpu.memory_space<hbm>> -> memref<64x128xf32, #tpu.memory_space<hbm>>
    tpu.enqueue_dma source(%arg17 : memref<64x128xf32, #tpu.memory_space<vmem>>) target(%dma_start3A_142 : memref<64x128xf32, #tpu.memory_space<hbm>>) target_semaphore(%arg37 : memref<!tpu.dma_semaphore, #tpu.memory_space<semaphore_mem>>)
    %dma_wait3A_143 = arith.constant 6272 : i32
    %dma_wait3A_144 = tpu.memref_slice %arg8[%dma_wait3A_143] : memref<6400xi32, #tpu.memory_space<vmem>> -> memref<64xi32, #tpu.memory_space<vmem>>
    %dma_wait3A_145 = arith.constant 0 : i32
    %dma_wait3A_146 = arith.constant 0 : i32
    %dma_wait3A_147 = tpu.memref_slice %arg4[%dma_wait3A_145, %dma_wait3A_146] : memref<100000x128xf32, #tpu.memory_space<hbm>> -> memref<100000x128xf32, #tpu.memory_space<hbm>>
    tpu.wait_indirect_dma semaphore(%arg28 : memref<!tpu.dma_semaphore, #tpu.memory_space<semaphore_mem>>) src(%dma_wait3A_147 : memref<100000x128xf32, #tpu.memory_space<hbm>>) dst(%arg18 : memref<64x128xf32, #tpu.memory_space<vmem>>)
    %add3A_148 = arith.constant 6272 : i32
    %add3A_149 = arith.addi %mul3A_2, %add3A_148 : i32
    %dma_start3A_150 = arith.constant 0 : i32
    %dma_start3A_151 = tpu.memref_slice %arg6[%add3A_149, %dma_start3A_150] : memref<204800x128xf32, #tpu.memory_space<hbm>> -> memref<64x128xf32, #tpu.memory_space<hbm>>
    %dma_start3A_152 = arith.constant 0 : i32
    %dma_start3A_153 = tpu.memref_slice %arg6[%add3A_149, %dma_start3A_152] : memref<204800x128xf32, #tpu.memory_space<hbm>> -> memref<64x128xf32, #tpu.memory_space<hbm>>
    tpu.enqueue_dma source(%arg18 : memref<64x128xf32, #tpu.memory_space<vmem>>) target(%dma_start3A_153 : memref<64x128xf32, #tpu.memory_space<hbm>>) target_semaphore(%arg38 : memref<!tpu.dma_semaphore, #tpu.memory_space<semaphore_mem>>)
    %dma_wait3A_154 = arith.constant 6336 : i32
    %dma_wait3A_155 = tpu.memref_slice %arg8[%dma_wait3A_154] : memref<6400xi32, #tpu.memory_space<vmem>> -> memref<64xi32, #tpu.memory_space<vmem>>
    %dma_wait3A_156 = arith.constant 0 : i32
    %dma_wait3A_157 = arith.constant 0 : i32
    %dma_wait3A_158 = tpu.memref_slice %arg4[%dma_wait3A_156, %dma_wait3A_157] : memref<100000x128xf32, #tpu.memory_space<hbm>> -> memref<100000x128xf32, #tpu.memory_space<hbm>>
    tpu.wait_indirect_dma semaphore(%arg29 : memref<!tpu.dma_semaphore, #tpu.memory_space<semaphore_mem>>) src(%dma_wait3A_158 : memref<100000x128xf32, #tpu.memory_space<hbm>>) dst(%arg19 : memref<64x128xf32, #tpu.memory_space<vmem>>)
    %add3A_159 = arith.constant 6336 : i32
    %add3A_160 = arith.addi %mul3A_2, %add3A_159 : i32
    %dma_start3A_161 = arith.constant 0 : i32
    %dma_start3A_162 = tpu.memref_slice %arg6[%add3A_160, %dma_start3A_161] : memref<204800x128xf32, #tpu.memory_space<hbm>> -> memref<64x128xf32, #tpu.memory_space<hbm>>
    %dma_start3A_163 = arith.constant 0 : i32
    %dma_start3A_164 = tpu.memref_slice %arg6[%add3A_160, %dma_start3A_163] : memref<204800x128xf32, #tpu.memory_space<hbm>> -> memref<64x128xf32, #tpu.memory_space<hbm>>
    tpu.enqueue_dma source(%arg19 : memref<64x128xf32, #tpu.memory_space<vmem>>) target(%dma_start3A_164 : memref<64x128xf32, #tpu.memory_space<hbm>>) target_semaphore(%arg39 : memref<!tpu.dma_semaphore, #tpu.memory_space<semaphore_mem>>)
    %add3A_165 = arith.constant 5760 : i32
    %add3A_166 = arith.addi %mul3A_2, %add3A_165 : i32
    %dma_wait3A_167 = arith.constant 0 : i32
    %dma_wait3A_168 = tpu.memref_slice %arg6[%add3A_166, %dma_wait3A_167] : memref<204800x128xf32, #tpu.memory_space<hbm>> -> memref<64x128xf32, #tpu.memory_space<hbm>>
    %dma_wait3A_169 = arith.constant 0 : i32
    %dma_wait3A_170 = tpu.memref_slice %arg6[%add3A_166, %dma_wait3A_169] : memref<204800x128xf32, #tpu.memory_space<hbm>> -> memref<64x128xf32, #tpu.memory_space<hbm>>
    tpu.wait_dma2 semaphore(%arg30 : memref<!tpu.dma_semaphore, #tpu.memory_space<semaphore_mem>>) src(%arg10 : memref<64x128xf32, #tpu.memory_space<vmem>>) dst(%dma_wait3A_170 : memref<64x128xf32, #tpu.memory_space<hbm>>)
    %add3A_171 = arith.constant 5824 : i32
    %add3A_172 = arith.addi %mul3A_2, %add3A_171 : i32
    %dma_wait3A_173 = arith.constant 0 : i32
    %dma_wait3A_174 = tpu.memref_slice %arg6[%add3A_172, %dma_wait3A_173] : memref<204800x128xf32, #tpu.memory_space<hbm>> -> memref<64x128xf32, #tpu.memory_space<hbm>>
    %dma_wait3A_175 = arith.constant 0 : i32
    %dma_wait3A_176 = tpu.memref_slice %arg6[%add3A_172, %dma_wait3A_175] : memref<204800x128xf32, #tpu.memory_space<hbm>> -> memref<64x128xf32, #tpu.memory_space<hbm>>
    tpu.wait_dma2 semaphore(%arg31 : memref<!tpu.dma_semaphore, #tpu.memory_space<semaphore_mem>>) src(%arg11 : memref<64x128xf32, #tpu.memory_space<vmem>>) dst(%dma_wait3A_176 : memref<64x128xf32, #tpu.memory_space<hbm>>)
    %add3A_177 = arith.constant 5888 : i32
    %add3A_178 = arith.addi %mul3A_2, %add3A_177 : i32
    %dma_wait3A_179 = arith.constant 0 : i32
    %dma_wait3A_180 = tpu.memref_slice %arg6[%add3A_178, %dma_wait3A_179] : memref<204800x128xf32, #tpu.memory_space<hbm>> -> memref<64x128xf32, #tpu.memory_space<hbm>>
    %dma_wait3A_181 = arith.constant 0 : i32
    %dma_wait3A_182 = tpu.memref_slice %arg6[%add3A_178, %dma_wait3A_181] : memref<204800x128xf32, #tpu.memory_space<hbm>> -> memref<64x128xf32, #tpu.memory_space<hbm>>
    tpu.wait_dma2 semaphore(%arg32 : memref<!tpu.dma_semaphore, #tpu.memory_space<semaphore_mem>>) src(%arg12 : memref<64x128xf32, #tpu.memory_space<vmem>>) dst(%dma_wait3A_182 : memref<64x128xf32, #tpu.memory_space<hbm>>)
    %add3A_183 = arith.constant 5952 : i32
    %add3A_184 = arith.addi %mul3A_2, %add3A_183 : i32
    %dma_wait3A_185 = arith.constant 0 : i32
    %dma_wait3A_186 = tpu.memref_slice %arg6[%add3A_184, %dma_wait3A_185] : memref<204800x128xf32, #tpu.memory_space<hbm>> -> memref<64x128xf32, #tpu.memory_space<hbm>>
    %dma_wait3A_187 = arith.constant 0 : i32
    %dma_wait3A_188 = tpu.memref_slice %arg6[%add3A_184, %dma_wait3A_187] : memref<204800x128xf32, #tpu.memory_space<hbm>> -> memref<64x128xf32, #tpu.memory_space<hbm>>
    tpu.wait_dma2 semaphore(%arg33 : memref<!tpu.dma_semaphore, #tpu.memory_space<semaphore_mem>>) src(%arg13 : memref<64x128xf32, #tpu.memory_space<vmem>>) dst(%dma_wait3A_188 : memref<64x128xf32, #tpu.memory_space<hbm>>)
    %add3A_189 = arith.constant 6016 : i32
    %add3A_190 = arith.addi %mul3A_2, %add3A_189 : i32
    %dma_wait3A_191 = arith.constant 0 : i32
    %dma_wait3A_192 = tpu.memref_slice %arg6[%add3A_190, %dma_wait3A_191] : memref<204800x128xf32, #tpu.memory_space<hbm>> -> memref<64x128xf32, #tpu.memory_space<hbm>>
    %dma_wait3A_193 = arith.constant 0 : i32
    %dma_wait3A_194 = tpu.memref_slice %arg6[%add3A_190, %dma_wait3A_193] : memref<204800x128xf32, #tpu.memory_space<hbm>> -> memref<64x128xf32, #tpu.memory_space<hbm>>
    tpu.wait_dma2 semaphore(%arg34 : memref<!tpu.dma_semaphore, #tpu.memory_space<semaphore_mem>>) src(%arg14 : memref<64x128xf32, #tpu.memory_space<vmem>>) dst(%dma_wait3A_194 : memref<64x128xf32, #tpu.memory_space<hbm>>)
    %add3A_195 = arith.constant 6080 : i32
    %add3A_196 = arith.addi %mul3A_2, %add3A_195 : i32
    %dma_wait3A_197 = arith.constant 0 : i32
    %dma_wait3A_198 = tpu.memref_slice %arg6[%add3A_196, %dma_wait3A_197] : memref<204800x128xf32, #tpu.memory_space<hbm>> -> memref<64x128xf32, #tpu.memory_space<hbm>>
    %dma_wait3A_199 = arith.constant 0 : i32
    %dma_wait3A_200 = tpu.memref_slice %arg6[%add3A_196, %dma_wait3A_199] : memref<204800x128xf32, #tpu.memory_space<hbm>> -> memref<64x128xf32, #tpu.memory_space<hbm>>
    tpu.wait_dma2 semaphore(%arg35 : memref<!tpu.dma_semaphore, #tpu.memory_space<semaphore_mem>>) src(%arg15 : memref<64x128xf32, #tpu.memory_space<vmem>>) dst(%dma_wait3A_200 : memref<64x128xf32, #tpu.memory_space<hbm>>)
    %add3A_201 = arith.constant 6144 : i32
    %add3A_202 = arith.addi %mul3A_2, %add3A_201 : i32
    %dma_wait3A_203 = arith.constant 0 : i32
    %dma_wait3A_204 = tpu.memref_slice %arg6[%add3A_202, %dma_wait3A_203] : memref<204800x128xf32, #tpu.memory_space<hbm>> -> memref<64x128xf32, #tpu.memory_space<hbm>>
    %dma_wait3A_205 = arith.constant 0 : i32
    %dma_wait3A_206 = tpu.memref_slice %arg6[%add3A_202, %dma_wait3A_205] : memref<204800x128xf32, #tpu.memory_space<hbm>> -> memref<64x128xf32, #tpu.memory_space<hbm>>
    tpu.wait_dma2 semaphore(%arg36 : memref<!tpu.dma_semaphore, #tpu.memory_space<semaphore_mem>>) src(%arg16 : memref<64x128xf32, #tpu.memory_space<vmem>>) dst(%dma_wait3A_206 : memref<64x128xf32, #tpu.memory_space<hbm>>)
    %add3A_207 = arith.constant 6208 : i32
    %add3A_208 = arith.addi %mul3A_2, %add3A_207 : i32
    %dma_wait3A_209 = arith.constant 0 : i32
    %dma_wait3A_210 = tpu.memref_slice %arg6[%add3A_208, %dma_wait3A_209] : memref<204800x128xf32, #tpu.memory_space<hbm>> -> memref<64x128xf32, #tpu.memory_space<hbm>>
    %dma_wait3A_211 = arith.constant 0 : i32
    %dma_wait3A_212 = tpu.memref_slice %arg6[%add3A_208, %dma_wait3A_211] : memref<204800x128xf32, #tpu.memory_space<hbm>> -> memref<64x128xf32, #tpu.memory_space<hbm>>
    tpu.wait_dma2 semaphore(%arg37 : memref<!tpu.dma_semaphore, #tpu.memory_space<semaphore_mem>>) src(%arg17 : memref<64x128xf32, #tpu.memory_space<vmem>>) dst(%dma_wait3A_212 : memref<64x128xf32, #tpu.memory_space<hbm>>)
    %add3A_213 = arith.constant 6272 : i32
    %add3A_214 = arith.addi %mul3A_2, %add3A_213 : i32
    %dma_wait3A_215 = arith.constant 0 : i32
    %dma_wait3A_216 = tpu.memref_slice %arg6[%add3A_214, %dma_wait3A_215] : memref<204800x128xf32, #tpu.memory_space<hbm>> -> memref<64x128xf32, #tpu.memory_space<hbm>>
    %dma_wait3A_217 = arith.constant 0 : i32
    %dma_wait3A_218 = tpu.memref_slice %arg6[%add3A_214, %dma_wait3A_217] : memref<204800x128xf32, #tpu.memory_space<hbm>> -> memref<64x128xf32, #tpu.memory_space<hbm>>
    tpu.wait_dma2 semaphore(%arg38 : memref<!tpu.dma_semaphore, #tpu.memory_space<semaphore_mem>>) src(%arg18 : memref<64x128xf32, #tpu.memory_space<vmem>>) dst(%dma_wait3A_218 : memref<64x128xf32, #tpu.memory_space<hbm>>)
    %add3A_219 = arith.constant 6336 : i32
    %add3A_220 = arith.addi %mul3A_2, %add3A_219 : i32
    %dma_wait3A_221 = arith.constant 0 : i32
    %dma_wait3A_222 = tpu.memref_slice %arg6[%add3A_220, %dma_wait3A_221] : memref<204800x128xf32, #tpu.memory_space<hbm>> -> memref<64x128xf32, #tpu.memory_space<hbm>>
    %dma_wait3A_223 = arith.constant 0 : i32
    %dma_wait3A_224 = tpu.memref_slice %arg6[%add3A_220, %dma_wait3A_223] : memref<204800x128xf32, #tpu.memory_space<hbm>> -> memref<64x128xf32, #tpu.memory_space<hbm>>
    tpu.wait_dma2 semaphore(%arg39 : memref<!tpu.dma_semaphore, #tpu.memory_space<semaphore_mem>>) src(%arg19 : memref<64x128xf32, #tpu.memory_space<vmem>>) dst(%dma_wait3A_224 : memref<64x128xf32, #tpu.memory_space<hbm>>)
    %dma_start3A_225 = arith.constant 0 : i32
    %dma_start3A_226 = tpu.memref_slice %arg9[%dma_start3A_225] : memref<6400xi32, #tpu.memory_space<vmem>> -> memref<64xi32, #tpu.memory_space<vmem>>
    %dma_start3A_227 = arith.constant 0 : i32
    %dma_start3A_228 = arith.constant 0 : i32
    %dma_start3A_229 = tpu.memref_slice %arg5[%dma_start3A_227, %dma_start3A_228] : memref<100000x128xf32, #tpu.memory_space<hbm>> -> memref<100000x128xf32, #tpu.memory_space<hbm>>
    tpu.enqueue_indirect_dma source(%dma_start3A_229 : memref<100000x128xf32, #tpu.memory_space<hbm>>) target(%arg10 : memref<64x128xf32, #tpu.memory_space<vmem>>) offsets(%dma_start3A_226 : memref<64xi32, #tpu.memory_space<vmem>>) semaphore(%arg20 : memref<!tpu.dma_semaphore, #tpu.memory_space<semaphore_mem>>)
    %dma_start3A_230 = arith.constant 64 : i32
    %dma_start3A_231 = tpu.memref_slice %arg9[%dma_start3A_230] : memref<6400xi32, #tpu.memory_space<vmem>> -> memref<64xi32, #tpu.memory_space<vmem>>
    %dma_start3A_232 = arith.constant 0 : i32
    %dma_start3A_233 = arith.constant 0 : i32
    %dma_start3A_234 = tpu.memref_slice %arg5[%dma_start3A_232, %dma_start3A_233] : memref<100000x128xf32, #tpu.memory_space<hbm>> -> memref<100000x128xf32, #tpu.memory_space<hbm>>
    tpu.enqueue_indirect_dma source(%dma_start3A_234 : memref<100000x128xf32, #tpu.memory_space<hbm>>) target(%arg11 : memref<64x128xf32, #tpu.memory_space<vmem>>) offsets(%dma_start3A_231 : memref<64xi32, #tpu.memory_space<vmem>>) semaphore(%arg21 : memref<!tpu.dma_semaphore, #tpu.memory_space<semaphore_mem>>)
    %dma_start3A_235 = arith.constant 128 : i32
    %dma_start3A_236 = tpu.memref_slice %arg9[%dma_start3A_235] : memref<6400xi32, #tpu.memory_space<vmem>> -> memref<64xi32, #tpu.memory_space<vmem>>
    %dma_start3A_237 = arith.constant 0 : i32
    %dma_start3A_238 = arith.constant 0 : i32
    %dma_start3A_239 = tpu.memref_slice %arg5[%dma_start3A_237, %dma_start3A_238] : memref<100000x128xf32, #tpu.memory_space<hbm>> -> memref<100000x128xf32, #tpu.memory_space<hbm>>
    tpu.enqueue_indirect_dma source(%dma_start3A_239 : memref<100000x128xf32, #tpu.memory_space<hbm>>) target(%arg12 : memref<64x128xf32, #tpu.memory_space<vmem>>) offsets(%dma_start3A_236 : memref<64xi32, #tpu.memory_space<vmem>>) semaphore(%arg22 : memref<!tpu.dma_semaphore, #tpu.memory_space<semaphore_mem>>)
    %dma_start3A_240 = arith.constant 192 : i32
    %dma_start3A_241 = tpu.memref_slice %arg9[%dma_start3A_240] : memref<6400xi32, #tpu.memory_space<vmem>> -> memref<64xi32, #tpu.memory_space<vmem>>
    %dma_start3A_242 = arith.constant 0 : i32
    %dma_start3A_243 = arith.constant 0 : i32
    %dma_start3A_244 = tpu.memref_slice %arg5[%dma_start3A_242, %dma_start3A_243] : memref<100000x128xf32, #tpu.memory_space<hbm>> -> memref<100000x128xf32, #tpu.memory_space<hbm>>
    tpu.enqueue_indirect_dma source(%dma_start3A_244 : memref<100000x128xf32, #tpu.memory_space<hbm>>) target(%arg13 : memref<64x128xf32, #tpu.memory_space<vmem>>) offsets(%dma_start3A_241 : memref<64xi32, #tpu.memory_space<vmem>>) semaphore(%arg23 : memref<!tpu.dma_semaphore, #tpu.memory_space<semaphore_mem>>)
    %dma_start3A_245 = arith.constant 256 : i32
    %dma_start3A_246 = tpu.memref_slice %arg9[%dma_start3A_245] : memref<6400xi32, #tpu.memory_space<vmem>> -> memref<64xi32, #tpu.memory_space<vmem>>
    %dma_start3A_247 = arith.constant 0 : i32
    %dma_start3A_248 = arith.constant 0 : i32
    %dma_start3A_249 = tpu.memref_slice %arg5[%dma_start3A_247, %dma_start3A_248] : memref<100000x128xf32, #tpu.memory_space<hbm>> -> memref<100000x128xf32, #tpu.memory_space<hbm>>
    tpu.enqueue_indirect_dma source(%dma_start3A_249 : memref<100000x128xf32, #tpu.memory_space<hbm>>) target(%arg14 : memref<64x128xf32, #tpu.memory_space<vmem>>) offsets(%dma_start3A_246 : memref<64xi32, #tpu.memory_space<vmem>>) semaphore(%arg24 : memref<!tpu.dma_semaphore, #tpu.memory_space<semaphore_mem>>)
    %dma_start3A_250 = arith.constant 320 : i32
    %dma_start3A_251 = tpu.memref_slice %arg9[%dma_start3A_250] : memref<6400xi32, #tpu.memory_space<vmem>> -> memref<64xi32, #tpu.memory_space<vmem>>
    %dma_start3A_252 = arith.constant 0 : i32
    %dma_start3A_253 = arith.constant 0 : i32
    %dma_start3A_254 = tpu.memref_slice %arg5[%dma_start3A_252, %dma_start3A_253] : memref<100000x128xf32, #tpu.memory_space<hbm>> -> memref<100000x128xf32, #tpu.memory_space<hbm>>
    tpu.enqueue_indirect_dma source(%dma_start3A_254 : memref<100000x128xf32, #tpu.memory_space<hbm>>) target(%arg15 : memref<64x128xf32, #tpu.memory_space<vmem>>) offsets(%dma_start3A_251 : memref<64xi32, #tpu.memory_space<vmem>>) semaphore(%arg25 : memref<!tpu.dma_semaphore, #tpu.memory_space<semaphore_mem>>)
    %dma_start3A_255 = arith.constant 384 : i32
    %dma_start3A_256 = tpu.memref_slice %arg9[%dma_start3A_255] : memref<6400xi32, #tpu.memory_space<vmem>> -> memref<64xi32, #tpu.memory_space<vmem>>
    %dma_start3A_257 = arith.constant 0 : i32
    %dma_start3A_258 = arith.constant 0 : i32
    %dma_start3A_259 = tpu.memref_slice %arg5[%dma_start3A_257, %dma_start3A_258] : memref<100000x128xf32, #tpu.memory_space<hbm>> -> memref<100000x128xf32, #tpu.memory_space<hbm>>
    tpu.enqueue_indirect_dma source(%dma_start3A_259 : memref<100000x128xf32, #tpu.memory_space<hbm>>) target(%arg16 : memref<64x128xf32, #tpu.memory_space<vmem>>) offsets(%dma_start3A_256 : memref<64xi32, #tpu.memory_space<vmem>>) semaphore(%arg26 : memref<!tpu.dma_semaphore, #tpu.memory_space<semaphore_mem>>)
    %dma_start3A_260 = arith.constant 448 : i32
    %dma_start3A_261 = tpu.memref_slice %arg9[%dma_start3A_260] : memref<6400xi32, #tpu.memory_space<vmem>> -> memref<64xi32, #tpu.memory_space<vmem>>
    %dma_start3A_262 = arith.constant 0 : i32
    %dma_start3A_263 = arith.constant 0 : i32
    %dma_start3A_264 = tpu.memref_slice %arg5[%dma_start3A_262, %dma_start3A_263] : memref<100000x128xf32, #tpu.memory_space<hbm>> -> memref<100000x128xf32, #tpu.memory_space<hbm>>
    tpu.enqueue_indirect_dma source(%dma_start3A_264 : memref<100000x128xf32, #tpu.memory_space<hbm>>) target(%arg17 : memref<64x128xf32, #tpu.memory_space<vmem>>) offsets(%dma_start3A_261 : memref<64xi32, #tpu.memory_space<vmem>>) semaphore(%arg27 : memref<!tpu.dma_semaphore, #tpu.memory_space<semaphore_mem>>)
    %dma_start3A_265 = arith.constant 512 : i32
    %dma_start3A_266 = tpu.memref_slice %arg9[%dma_start3A_265] : memref<6400xi32, #tpu.memory_space<vmem>> -> memref<64xi32, #tpu.memory_space<vmem>>
    %dma_start3A_267 = arith.constant 0 : i32
    %dma_start3A_268 = arith.constant 0 : i32
    %dma_start3A_269 = tpu.memref_slice %arg5[%dma_start3A_267, %dma_start3A_268] : memref<100000x128xf32, #tpu.memory_space<hbm>> -> memref<100000x128xf32, #tpu.memory_space<hbm>>
    tpu.enqueue_indirect_dma source(%dma_start3A_269 : memref<100000x128xf32, #tpu.memory_space<hbm>>) target(%arg18 : memref<64x128xf32, #tpu.memory_space<vmem>>) offsets(%dma_start3A_266 : memref<64xi32, #tpu.memory_space<vmem>>) semaphore(%arg28 : memref<!tpu.dma_semaphore, #tpu.memory_space<semaphore_mem>>)
    %dma_start3A_270 = arith.constant 576 : i32
    %dma_start3A_271 = tpu.memref_slice %arg9[%dma_start3A_270] : memref<6400xi32, #tpu.memory_space<vmem>> -> memref<64xi32, #tpu.memory_space<vmem>>
    %dma_start3A_272 = arith.constant 0 : i32
    %dma_start3A_273 = arith.constant 0 : i32
    %dma_start3A_274 = tpu.memref_slice %arg5[%dma_start3A_272, %dma_start3A_273] : memref<100000x128xf32, #tpu.memory_space<hbm>> -> memref<100000x128xf32, #tpu.memory_space<hbm>>
    tpu.enqueue_indirect_dma source(%dma_start3A_274 : memref<100000x128xf32, #tpu.memory_space<hbm>>) target(%arg19 : memref<64x128xf32, #tpu.memory_space<vmem>>) offsets(%dma_start3A_271 : memref<64xi32, #tpu.memory_space<vmem>>) semaphore(%arg29 : memref<!tpu.dma_semaphore, #tpu.memory_space<semaphore_mem>>)
    %scan3A_275 = arith.constant 0 : i32
    %scan3A_276 = arith.constant 9 : i32
    %scan3A_277 = arith.addi %scan3A_275, %scan3A_276 : i32
    %scan3A_278 = arith.constant 1 : i32
    scf.for %scan3A_450 = %scan3A_275 to %scan3A_277 step %scan3A_278  : i32 {
      %mul3A_451 = arith.constant 10 : i32
      %mul3A_452 = arith.muli %scan3A_450, %mul3A_451 : i32
      %add3A_453 = arith.constant 0 : i32
      %add3A_454 = arith.addi %add3A_453, %mul3A_452 : i32
      %add3A_455 = arith.constant 0 : i32
      %add3A_456 = arith.addi %add3A_454, %add3A_455 : i32
      %mul3A_457 = arith.constant 64 : i32
      %mul3A_458 = arith.muli %add3A_456, %mul3A_457 : i32
      %dma_wait3A_459 = tpu.memref_slice %arg9[%mul3A_458] : memref<6400xi32, #tpu.memory_space<vmem>> -> memref<64xi32, #tpu.memory_space<vmem>>
      %dma_wait3A_460 = arith.constant 0 : i32
      %dma_wait3A_461 = arith.constant 0 : i32
      %dma_wait3A_462 = tpu.memref_slice %arg5[%dma_wait3A_460, %dma_wait3A_461] : memref<100000x128xf32, #tpu.memory_space<hbm>> -> memref<100000x128xf32, #tpu.memory_space<hbm>>
      tpu.wait_indirect_dma semaphore(%arg20 : memref<!tpu.dma_semaphore, #tpu.memory_space<semaphore_mem>>) src(%dma_wait3A_462 : memref<100000x128xf32, #tpu.memory_space<hbm>>) dst(%arg10 : memref<64x128xf32, #tpu.memory_space<vmem>>)
      %add3A_463 = arith.constant 0 : i32
      %add3A_464 = arith.addi %add3A_454, %add3A_463 : i32
      %mul3A_465 = arith.constant 64 : i32
      %mul3A_466 = arith.muli %add3A_464, %mul3A_465 : i32
      %add3A_467 = arith.addi %mul3A_2, %mul3A_466 : i32
      %dma_start3A_468 = arith.constant 0 : i32
      %dma_start3A_469 = tpu.memref_slice %arg7[%add3A_467, %dma_start3A_468] : memref<204800x128xf32, #tpu.memory_space<hbm>> -> memref<64x128xf32, #tpu.memory_space<hbm>>
      %dma_start3A_470 = arith.constant 0 : i32
      %dma_start3A_471 = tpu.memref_slice %arg7[%add3A_467, %dma_start3A_470] : memref<204800x128xf32, #tpu.memory_space<hbm>> -> memref<64x128xf32, #tpu.memory_space<hbm>>
      tpu.enqueue_dma source(%arg10 : memref<64x128xf32, #tpu.memory_space<vmem>>) target(%dma_start3A_471 : memref<64x128xf32, #tpu.memory_space<hbm>>) target_semaphore(%arg30 : memref<!tpu.dma_semaphore, #tpu.memory_space<semaphore_mem>>)
      %add3A_472 = arith.constant 1 : i32
      %add3A_473 = arith.addi %add3A_454, %add3A_472 : i32
      %mul3A_474 = arith.constant 64 : i32
      %mul3A_475 = arith.muli %add3A_473, %mul3A_474 : i32
      %dma_wait3A_476 = tpu.memref_slice %arg9[%mul3A_475] : memref<6400xi32, #tpu.memory_space<vmem>> -> memref<64xi32, #tpu.memory_space<vmem>>
      %dma_wait3A_477 = arith.constant 0 : i32
      %dma_wait3A_478 = arith.constant 0 : i32
      %dma_wait3A_479 = tpu.memref_slice %arg5[%dma_wait3A_477, %dma_wait3A_478] : memref<100000x128xf32, #tpu.memory_space<hbm>> -> memref<100000x128xf32, #tpu.memory_space<hbm>>
      tpu.wait_indirect_dma semaphore(%arg21 : memref<!tpu.dma_semaphore, #tpu.memory_space<semaphore_mem>>) src(%dma_wait3A_479 : memref<100000x128xf32, #tpu.memory_space<hbm>>) dst(%arg11 : memref<64x128xf32, #tpu.memory_space<vmem>>)
      %add3A_480 = arith.constant 1 : i32
      %add3A_481 = arith.addi %add3A_454, %add3A_480 : i32
      %mul3A_482 = arith.constant 64 : i32
      %mul3A_483 = arith.muli %add3A_481, %mul3A_482 : i32
      %add3A_484 = arith.addi %mul3A_2, %mul3A_483 : i32
      %dma_start3A_485 = arith.constant 0 : i32
      %dma_start3A_486 = tpu.memref_slice %arg7[%add3A_484, %dma_start3A_485] : memref<204800x128xf32, #tpu.memory_space<hbm>> -> memref<64x128xf32, #tpu.memory_space<hbm>>
      %dma_start3A_487 = arith.constant 0 : i32
      %dma_start3A_488 = tpu.memref_slice %arg7[%add3A_484, %dma_start3A_487] : memref<204800x128xf32, #tpu.memory_space<hbm>> -> memref<64x128xf32, #tpu.memory_space<hbm>>
      tpu.enqueue_dma source(%arg11 : memref<64x128xf32, #tpu.memory_space<vmem>>) target(%dma_start3A_488 : memref<64x128xf32, #tpu.memory_space<hbm>>) target_semaphore(%arg31 : memref<!tpu.dma_semaphore, #tpu.memory_space<semaphore_mem>>)
      %add3A_489 = arith.constant 2 : i32
      %add3A_490 = arith.addi %add3A_454, %add3A_489 : i32
      %mul3A_491 = arith.constant 64 : i32
      %mul3A_492 = arith.muli %add3A_490, %mul3A_491 : i32
      %dma_wait3A_493 = tpu.memref_slice %arg9[%mul3A_492] : memref<6400xi32, #tpu.memory_space<vmem>> -> memref<64xi32, #tpu.memory_space<vmem>>
      %dma_wait3A_494 = arith.constant 0 : i32
      %dma_wait3A_495 = arith.constant 0 : i32
      %dma_wait3A_496 = tpu.memref_slice %arg5[%dma_wait3A_494, %dma_wait3A_495] : memref<100000x128xf32, #tpu.memory_space<hbm>> -> memref<100000x128xf32, #tpu.memory_space<hbm>>
      tpu.wait_indirect_dma semaphore(%arg22 : memref<!tpu.dma_semaphore, #tpu.memory_space<semaphore_mem>>) src(%dma_wait3A_496 : memref<100000x128xf32, #tpu.memory_space<hbm>>) dst(%arg12 : memref<64x128xf32, #tpu.memory_space<vmem>>)
      %add3A_497 = arith.constant 2 : i32
      %add3A_498 = arith.addi %add3A_454, %add3A_497 : i32
      %mul3A_499 = arith.constant 64 : i32
      %mul3A_500 = arith.muli %add3A_498, %mul3A_499 : i32
      %add3A_501 = arith.addi %mul3A_2, %mul3A_500 : i32
      %dma_start3A_502 = arith.constant 0 : i32
      %dma_start3A_503 = tpu.memref_slice %arg7[%add3A_501, %dma_start3A_502] : memref<204800x128xf32, #tpu.memory_space<hbm>> -> memref<64x128xf32, #tpu.memory_space<hbm>>
      %dma_start3A_504 = arith.constant 0 : i32
      %dma_start3A_505 = tpu.memref_slice %arg7[%add3A_501, %dma_start3A_504] : memref<204800x128xf32, #tpu.memory_space<hbm>> -> memref<64x128xf32, #tpu.memory_space<hbm>>
      tpu.enqueue_dma source(%arg12 : memref<64x128xf32, #tpu.memory_space<vmem>>) target(%dma_start3A_505 : memref<64x128xf32, #tpu.memory_space<hbm>>) target_semaphore(%arg32 : memref<!tpu.dma_semaphore, #tpu.memory_space<semaphore_mem>>)
      %add3A_506 = arith.constant 3 : i32
      %add3A_507 = arith.addi %add3A_454, %add3A_506 : i32
      %mul3A_508 = arith.constant 64 : i32
      %mul3A_509 = arith.muli %add3A_507, %mul3A_508 : i32
      %dma_wait3A_510 = tpu.memref_slice %arg9[%mul3A_509] : memref<6400xi32, #tpu.memory_space<vmem>> -> memref<64xi32, #tpu.memory_space<vmem>>
      %dma_wait3A_511 = arith.constant 0 : i32
      %dma_wait3A_512 = arith.constant 0 : i32
      %dma_wait3A_513 = tpu.memref_slice %arg5[%dma_wait3A_511, %dma_wait3A_512] : memref<100000x128xf32, #tpu.memory_space<hbm>> -> memref<100000x128xf32, #tpu.memory_space<hbm>>
      tpu.wait_indirect_dma semaphore(%arg23 : memref<!tpu.dma_semaphore, #tpu.memory_space<semaphore_mem>>) src(%dma_wait3A_513 : memref<100000x128xf32, #tpu.memory_space<hbm>>) dst(%arg13 : memref<64x128xf32, #tpu.memory_space<vmem>>)
      %add3A_514 = arith.constant 3 : i32
      %add3A_515 = arith.addi %add3A_454, %add3A_514 : i32
      %mul3A_516 = arith.constant 64 : i32
      %mul3A_517 = arith.muli %add3A_515, %mul3A_516 : i32
      %add3A_518 = arith.addi %mul3A_2, %mul3A_517 : i32
      %dma_start3A_519 = arith.constant 0 : i32
      %dma_start3A_520 = tpu.memref_slice %arg7[%add3A_518, %dma_start3A_519] : memref<204800x128xf32, #tpu.memory_space<hbm>> -> memref<64x128xf32, #tpu.memory_space<hbm>>
      %dma_start3A_521 = arith.constant 0 : i32
      %dma_start3A_522 = tpu.memref_slice %arg7[%add3A_518, %dma_start3A_521] : memref<204800x128xf32, #tpu.memory_space<hbm>> -> memref<64x128xf32, #tpu.memory_space<hbm>>
      tpu.enqueue_dma source(%arg13 : memref<64x128xf32, #tpu.memory_space<vmem>>) target(%dma_start3A_522 : memref<64x128xf32, #tpu.memory_space<hbm>>) target_semaphore(%arg33 : memref<!tpu.dma_semaphore, #tpu.memory_space<semaphore_mem>>)
      %add3A_523 = arith.constant 4 : i32
      %add3A_524 = arith.addi %add3A_454, %add3A_523 : i32
      %mul3A_525 = arith.constant 64 : i32
      %mul3A_526 = arith.muli %add3A_524, %mul3A_525 : i32
      %dma_wait3A_527 = tpu.memref_slice %arg9[%mul3A_526] : memref<6400xi32, #tpu.memory_space<vmem>> -> memref<64xi32, #tpu.memory_space<vmem>>
      %dma_wait3A_528 = arith.constant 0 : i32
      %dma_wait3A_529 = arith.constant 0 : i32
      %dma_wait3A_530 = tpu.memref_slice %arg5[%dma_wait3A_528, %dma_wait3A_529] : memref<100000x128xf32, #tpu.memory_space<hbm>> -> memref<100000x128xf32, #tpu.memory_space<hbm>>
      tpu.wait_indirect_dma semaphore(%arg24 : memref<!tpu.dma_semaphore, #tpu.memory_space<semaphore_mem>>) src(%dma_wait3A_530 : memref<100000x128xf32, #tpu.memory_space<hbm>>) dst(%arg14 : memref<64x128xf32, #tpu.memory_space<vmem>>)
      %add3A_531 = arith.constant 4 : i32
      %add3A_532 = arith.addi %add3A_454, %add3A_531 : i32
      %mul3A_533 = arith.constant 64 : i32
      %mul3A_534 = arith.muli %add3A_532, %mul3A_533 : i32
      %add3A_535 = arith.addi %mul3A_2, %mul3A_534 : i32
      %dma_start3A_536 = arith.constant 0 : i32
      %dma_start3A_537 = tpu.memref_slice %arg7[%add3A_535, %dma_start3A_536] : memref<204800x128xf32, #tpu.memory_space<hbm>> -> memref<64x128xf32, #tpu.memory_space<hbm>>
      %dma_start3A_538 = arith.constant 0 : i32
      %dma_start3A_539 = tpu.memref_slice %arg7[%add3A_535, %dma_start3A_538] : memref<204800x128xf32, #tpu.memory_space<hbm>> -> memref<64x128xf32, #tpu.memory_space<hbm>>
      tpu.enqueue_dma source(%arg14 : memref<64x128xf32, #tpu.memory_space<vmem>>) target(%dma_start3A_539 : memref<64x128xf32, #tpu.memory_space<hbm>>) target_semaphore(%arg34 : memref<!tpu.dma_semaphore, #tpu.memory_space<semaphore_mem>>)
      %add3A_540 = arith.constant 5 : i32
      %add3A_541 = arith.addi %add3A_454, %add3A_540 : i32
      %mul3A_542 = arith.constant 64 : i32
      %mul3A_543 = arith.muli %add3A_541, %mul3A_542 : i32
      %dma_wait3A_544 = tpu.memref_slice %arg9[%mul3A_543] : memref<6400xi32, #tpu.memory_space<vmem>> -> memref<64xi32, #tpu.memory_space<vmem>>
      %dma_wait3A_545 = arith.constant 0 : i32
      %dma_wait3A_546 = arith.constant 0 : i32
      %dma_wait3A_547 = tpu.memref_slice %arg5[%dma_wait3A_545, %dma_wait3A_546] : memref<100000x128xf32, #tpu.memory_space<hbm>> -> memref<100000x128xf32, #tpu.memory_space<hbm>>
      tpu.wait_indirect_dma semaphore(%arg25 : memref<!tpu.dma_semaphore, #tpu.memory_space<semaphore_mem>>) src(%dma_wait3A_547 : memref<100000x128xf32, #tpu.memory_space<hbm>>) dst(%arg15 : memref<64x128xf32, #tpu.memory_space<vmem>>)
      %add3A_548 = arith.constant 5 : i32
      %add3A_549 = arith.addi %add3A_454, %add3A_548 : i32
      %mul3A_550 = arith.constant 64 : i32
      %mul3A_551 = arith.muli %add3A_549, %mul3A_550 : i32
      %add3A_552 = arith.addi %mul3A_2, %mul3A_551 : i32
      %dma_start3A_553 = arith.constant 0 : i32
      %dma_start3A_554 = tpu.memref_slice %arg7[%add3A_552, %dma_start3A_553] : memref<204800x128xf32, #tpu.memory_space<hbm>> -> memref<64x128xf32, #tpu.memory_space<hbm>>
      %dma_start3A_555 = arith.constant 0 : i32
      %dma_start3A_556 = tpu.memref_slice %arg7[%add3A_552, %dma_start3A_555] : memref<204800x128xf32, #tpu.memory_space<hbm>> -> memref<64x128xf32, #tpu.memory_space<hbm>>
      tpu.enqueue_dma source(%arg15 : memref<64x128xf32, #tpu.memory_space<vmem>>) target(%dma_start3A_556 : memref<64x128xf32, #tpu.memory_space<hbm>>) target_semaphore(%arg35 : memref<!tpu.dma_semaphore, #tpu.memory_space<semaphore_mem>>)
      %add3A_557 = arith.constant 6 : i32
      %add3A_558 = arith.addi %add3A_454, %add3A_557 : i32
      %mul3A_559 = arith.constant 64 : i32
      %mul3A_560 = arith.muli %add3A_558, %mul3A_559 : i32
      %dma_wait3A_561 = tpu.memref_slice %arg9[%mul3A_560] : memref<6400xi32, #tpu.memory_space<vmem>> -> memref<64xi32, #tpu.memory_space<vmem>>
      %dma_wait3A_562 = arith.constant 0 : i32
      %dma_wait3A_563 = arith.constant 0 : i32
      %dma_wait3A_564 = tpu.memref_slice %arg5[%dma_wait3A_562, %dma_wait3A_563] : memref<100000x128xf32, #tpu.memory_space<hbm>> -> memref<100000x128xf32, #tpu.memory_space<hbm>>
      tpu.wait_indirect_dma semaphore(%arg26 : memref<!tpu.dma_semaphore, #tpu.memory_space<semaphore_mem>>) src(%dma_wait3A_564 : memref<100000x128xf32, #tpu.memory_space<hbm>>) dst(%arg16 : memref<64x128xf32, #tpu.memory_space<vmem>>)
      %add3A_565 = arith.constant 6 : i32
      %add3A_566 = arith.addi %add3A_454, %add3A_565 : i32
      %mul3A_567 = arith.constant 64 : i32
      %mul3A_568 = arith.muli %add3A_566, %mul3A_567 : i32
      %add3A_569 = arith.addi %mul3A_2, %mul3A_568 : i32
      %dma_start3A_570 = arith.constant 0 : i32
      %dma_start3A_571 = tpu.memref_slice %arg7[%add3A_569, %dma_start3A_570] : memref<204800x128xf32, #tpu.memory_space<hbm>> -> memref<64x128xf32, #tpu.memory_space<hbm>>
      %dma_start3A_572 = arith.constant 0 : i32
      %dma_start3A_573 = tpu.memref_slice %arg7[%add3A_569, %dma_start3A_572] : memref<204800x128xf32, #tpu.memory_space<hbm>> -> memref<64x128xf32, #tpu.memory_space<hbm>>
      tpu.enqueue_dma source(%arg16 : memref<64x128xf32, #tpu.memory_space<vmem>>) target(%dma_start3A_573 : memref<64x128xf32, #tpu.memory_space<hbm>>) target_semaphore(%arg36 : memref<!tpu.dma_semaphore, #tpu.memory_space<semaphore_mem>>)
      %add3A_574 = arith.constant 7 : i32
      %add3A_575 = arith.addi %add3A_454, %add3A_574 : i32
      %mul3A_576 = arith.constant 64 : i32
      %mul3A_577 = arith.muli %add3A_575, %mul3A_576 : i32
      %dma_wait3A_578 = tpu.memref_slice %arg9[%mul3A_577] : memref<6400xi32, #tpu.memory_space<vmem>> -> memref<64xi32, #tpu.memory_space<vmem>>
      %dma_wait3A_579 = arith.constant 0 : i32
      %dma_wait3A_580 = arith.constant 0 : i32
      %dma_wait3A_581 = tpu.memref_slice %arg5[%dma_wait3A_579, %dma_wait3A_580] : memref<100000x128xf32, #tpu.memory_space<hbm>> -> memref<100000x128xf32, #tpu.memory_space<hbm>>
      tpu.wait_indirect_dma semaphore(%arg27 : memref<!tpu.dma_semaphore, #tpu.memory_space<semaphore_mem>>) src(%dma_wait3A_581 : memref<100000x128xf32, #tpu.memory_space<hbm>>) dst(%arg17 : memref<64x128xf32, #tpu.memory_space<vmem>>)
      %add3A_582 = arith.constant 7 : i32
      %add3A_583 = arith.addi %add3A_454, %add3A_582 : i32
      %mul3A_584 = arith.constant 64 : i32
      %mul3A_585 = arith.muli %add3A_583, %mul3A_584 : i32
      %add3A_586 = arith.addi %mul3A_2, %mul3A_585 : i32
      %dma_start3A_587 = arith.constant 0 : i32
      %dma_start3A_588 = tpu.memref_slice %arg7[%add3A_586, %dma_start3A_587] : memref<204800x128xf32, #tpu.memory_space<hbm>> -> memref<64x128xf32, #tpu.memory_space<hbm>>
      %dma_start3A_589 = arith.constant 0 : i32
      %dma_start3A_590 = tpu.memref_slice %arg7[%add3A_586, %dma_start3A_589] : memref<204800x128xf32, #tpu.memory_space<hbm>> -> memref<64x128xf32, #tpu.memory_space<hbm>>
      tpu.enqueue_dma source(%arg17 : memref<64x128xf32, #tpu.memory_space<vmem>>) target(%dma_start3A_590 : memref<64x128xf32, #tpu.memory_space<hbm>>) target_semaphore(%arg37 : memref<!tpu.dma_semaphore, #tpu.memory_space<semaphore_mem>>)
      %add3A_591 = arith.constant 8 : i32
      %add3A_592 = arith.addi %add3A_454, %add3A_591 : i32
      %mul3A_593 = arith.constant 64 : i32
      %mul3A_594 = arith.muli %add3A_592, %mul3A_593 : i32
      %dma_wait3A_595 = tpu.memref_slice %arg9[%mul3A_594] : memref<6400xi32, #tpu.memory_space<vmem>> -> memref<64xi32, #tpu.memory_space<vmem>>
      %dma_wait3A_596 = arith.constant 0 : i32
      %dma_wait3A_597 = arith.constant 0 : i32
      %dma_wait3A_598 = tpu.memref_slice %arg5[%dma_wait3A_596, %dma_wait3A_597] : memref<100000x128xf32, #tpu.memory_space<hbm>> -> memref<100000x128xf32, #tpu.memory_space<hbm>>
      tpu.wait_indirect_dma semaphore(%arg28 : memref<!tpu.dma_semaphore, #tpu.memory_space<semaphore_mem>>) src(%dma_wait3A_598 : memref<100000x128xf32, #tpu.memory_space<hbm>>) dst(%arg18 : memref<64x128xf32, #tpu.memory_space<vmem>>)
      %add3A_599 = arith.constant 8 : i32
      %add3A_600 = arith.addi %add3A_454, %add3A_599 : i32
      %mul3A_601 = arith.constant 64 : i32
      %mul3A_602 = arith.muli %add3A_600, %mul3A_601 : i32
      %add3A_603 = arith.addi %mul3A_2, %mul3A_602 : i32
      %dma_start3A_604 = arith.constant 0 : i32
      %dma_start3A_605 = tpu.memref_slice %arg7[%add3A_603, %dma_start3A_604] : memref<204800x128xf32, #tpu.memory_space<hbm>> -> memref<64x128xf32, #tpu.memory_space<hbm>>
      %dma_start3A_606 = arith.constant 0 : i32
      %dma_start3A_607 = tpu.memref_slice %arg7[%add3A_603, %dma_start3A_606] : memref<204800x128xf32, #tpu.memory_space<hbm>> -> memref<64x128xf32, #tpu.memory_space<hbm>>
      tpu.enqueue_dma source(%arg18 : memref<64x128xf32, #tpu.memory_space<vmem>>) target(%dma_start3A_607 : memref<64x128xf32, #tpu.memory_space<hbm>>) target_semaphore(%arg38 : memref<!tpu.dma_semaphore, #tpu.memory_space<semaphore_mem>>)
      %add3A_608 = arith.constant 9 : i32
      %add3A_609 = arith.addi %add3A_454, %add3A_608 : i32
      %mul3A_610 = arith.constant 64 : i32
      %mul3A_611 = arith.muli %add3A_609, %mul3A_610 : i32
      %dma_wait3A_612 = tpu.memref_slice %arg9[%mul3A_611] : memref<6400xi32, #tpu.memory_space<vmem>> -> memref<64xi32, #tpu.memory_space<vmem>>
      %dma_wait3A_613 = arith.constant 0 : i32
      %dma_wait3A_614 = arith.constant 0 : i32
      %dma_wait3A_615 = tpu.memref_slice %arg5[%dma_wait3A_613, %dma_wait3A_614] : memref<100000x128xf32, #tpu.memory_space<hbm>> -> memref<100000x128xf32, #tpu.memory_space<hbm>>
      tpu.wait_indirect_dma semaphore(%arg29 : memref<!tpu.dma_semaphore, #tpu.memory_space<semaphore_mem>>) src(%dma_wait3A_615 : memref<100000x128xf32, #tpu.memory_space<hbm>>) dst(%arg19 : memref<64x128xf32, #tpu.memory_space<vmem>>)
      %add3A_616 = arith.constant 9 : i32
      %add3A_617 = arith.addi %add3A_454, %add3A_616 : i32
      %mul3A_618 = arith.constant 64 : i32
      %mul3A_619 = arith.muli %add3A_617, %mul3A_618 : i32
      %add3A_620 = arith.addi %mul3A_2, %mul3A_619 : i32
      %dma_start3A_621 = arith.constant 0 : i32
      %dma_start3A_622 = tpu.memref_slice %arg7[%add3A_620, %dma_start3A_621] : memref<204800x128xf32, #tpu.memory_space<hbm>> -> memref<64x128xf32, #tpu.memory_space<hbm>>
      %dma_start3A_623 = arith.constant 0 : i32
      %dma_start3A_624 = tpu.memref_slice %arg7[%add3A_620, %dma_start3A_623] : memref<204800x128xf32, #tpu.memory_space<hbm>> -> memref<64x128xf32, #tpu.memory_space<hbm>>
      tpu.enqueue_dma source(%arg19 : memref<64x128xf32, #tpu.memory_space<vmem>>) target(%dma_start3A_624 : memref<64x128xf32, #tpu.memory_space<hbm>>) target_semaphore(%arg39 : memref<!tpu.dma_semaphore, #tpu.memory_space<semaphore_mem>>)
      %add3A_625 = arith.constant 0 : i32
      %add3A_626 = arith.addi %add3A_454, %add3A_625 : i32
      %mul3A_627 = arith.constant 64 : i32
      %mul3A_628 = arith.muli %add3A_626, %mul3A_627 : i32
      %add3A_629 = arith.addi %mul3A_2, %mul3A_628 : i32
      %dma_wait3A_630 = arith.constant 0 : i32
      %dma_wait3A_631 = tpu.memref_slice %arg7[%add3A_629, %dma_wait3A_630] : memref<204800x128xf32, #tpu.memory_space<hbm>> -> memref<64x128xf32, #tpu.memory_space<hbm>>
      %dma_wait3A_632 = arith.constant 0 : i32
      %dma_wait3A_633 = tpu.memref_slice %arg7[%add3A_629, %dma_wait3A_632] : memref<204800x128xf32, #tpu.memory_space<hbm>> -> memref<64x128xf32, #tpu.memory_space<hbm>>
      tpu.wait_dma2 semaphore(%arg30 : memref<!tpu.dma_semaphore, #tpu.memory_space<semaphore_mem>>) src(%arg10 : memref<64x128xf32, #tpu.memory_space<vmem>>) dst(%dma_wait3A_633 : memref<64x128xf32, #tpu.memory_space<hbm>>)
      %add3A_634 = arith.constant 10 : i32
      %add3A_635 = arith.addi %add3A_454, %add3A_634 : i32
      %add3A_636 = arith.constant 0 : i32
      %add3A_637 = arith.addi %add3A_635, %add3A_636 : i32
      %mul3A_638 = arith.constant 64 : i32
      %mul3A_639 = arith.muli %add3A_637, %mul3A_638 : i32
      %dma_start3A_640 = tpu.memref_slice %arg9[%mul3A_639] : memref<6400xi32, #tpu.memory_space<vmem>> -> memref<64xi32, #tpu.memory_space<vmem>>
      %dma_start3A_641 = arith.constant 0 : i32
      %dma_start3A_642 = arith.constant 0 : i32
      %dma_start3A_643 = tpu.memref_slice %arg5[%dma_start3A_641, %dma_start3A_642] : memref<100000x128xf32, #tpu.memory_space<hbm>> -> memref<100000x128xf32, #tpu.memory_space<hbm>>
      tpu.enqueue_indirect_dma source(%dma_start3A_643 : memref<100000x128xf32, #tpu.memory_space<hbm>>) target(%arg10 : memref<64x128xf32, #tpu.memory_space<vmem>>) offsets(%dma_start3A_640 : memref<64xi32, #tpu.memory_space<vmem>>) semaphore(%arg20 : memref<!tpu.dma_semaphore, #tpu.memory_space<semaphore_mem>>)
      %add3A_644 = arith.constant 1 : i32
      %add3A_645 = arith.addi %add3A_454, %add3A_644 : i32
      %mul3A_646 = arith.constant 64 : i32
      %mul3A_647 = arith.muli %add3A_645, %mul3A_646 : i32
      %add3A_648 = arith.addi %mul3A_2, %mul3A_647 : i32
      %dma_wait3A_649 = arith.constant 0 : i32
      %dma_wait3A_650 = tpu.memref_slice %arg7[%add3A_648, %dma_wait3A_649] : memref<204800x128xf32, #tpu.memory_space<hbm>> -> memref<64x128xf32, #tpu.memory_space<hbm>>
      %dma_wait3A_651 = arith.constant 0 : i32
      %dma_wait3A_652 = tpu.memref_slice %arg7[%add3A_648, %dma_wait3A_651] : memref<204800x128xf32, #tpu.memory_space<hbm>> -> memref<64x128xf32, #tpu.memory_space<hbm>>
      tpu.wait_dma2 semaphore(%arg31 : memref<!tpu.dma_semaphore, #tpu.memory_space<semaphore_mem>>) src(%arg11 : memref<64x128xf32, #tpu.memory_space<vmem>>) dst(%dma_wait3A_652 : memref<64x128xf32, #tpu.memory_space<hbm>>)
      %add3A_653 = arith.constant 10 : i32
      %add3A_654 = arith.addi %add3A_454, %add3A_653 : i32
      %add3A_655 = arith.constant 1 : i32
      %add3A_656 = arith.addi %add3A_654, %add3A_655 : i32
      %mul3A_657 = arith.constant 64 : i32
      %mul3A_658 = arith.muli %add3A_656, %mul3A_657 : i32
      %dma_start3A_659 = tpu.memref_slice %arg9[%mul3A_658] : memref<6400xi32, #tpu.memory_space<vmem>> -> memref<64xi32, #tpu.memory_space<vmem>>
      %dma_start3A_660 = arith.constant 0 : i32
      %dma_start3A_661 = arith.constant 0 : i32
      %dma_start3A_662 = tpu.memref_slice %arg5[%dma_start3A_660, %dma_start3A_661] : memref<100000x128xf32, #tpu.memory_space<hbm>> -> memref<100000x128xf32, #tpu.memory_space<hbm>>
      tpu.enqueue_indirect_dma source(%dma_start3A_662 : memref<100000x128xf32, #tpu.memory_space<hbm>>) target(%arg11 : memref<64x128xf32, #tpu.memory_space<vmem>>) offsets(%dma_start3A_659 : memref<64xi32, #tpu.memory_space<vmem>>) semaphore(%arg21 : memref<!tpu.dma_semaphore, #tpu.memory_space<semaphore_mem>>)
      %add3A_663 = arith.constant 2 : i32
      %add3A_664 = arith.addi %add3A_454, %add3A_663 : i32
      %mul3A_665 = arith.constant 64 : i32
      %mul3A_666 = arith.muli %add3A_664, %mul3A_665 : i32
      %add3A_667 = arith.addi %mul3A_2, %mul3A_666 : i32
      %dma_wait3A_668 = arith.constant 0 : i32
      %dma_wait3A_669 = tpu.memref_slice %arg7[%add3A_667, %dma_wait3A_668] : memref<204800x128xf32, #tpu.memory_space<hbm>> -> memref<64x128xf32, #tpu.memory_space<hbm>>
      %dma_wait3A_670 = arith.constant 0 : i32
      %dma_wait3A_671 = tpu.memref_slice %arg7[%add3A_667, %dma_wait3A_670] : memref<204800x128xf32, #tpu.memory_space<hbm>> -> memref<64x128xf32, #tpu.memory_space<hbm>>
      tpu.wait_dma2 semaphore(%arg32 : memref<!tpu.dma_semaphore, #tpu.memory_space<semaphore_mem>>) src(%arg12 : memref<64x128xf32, #tpu.memory_space<vmem>>) dst(%dma_wait3A_671 : memref<64x128xf32, #tpu.memory_space<hbm>>)
      %add3A_672 = arith.constant 10 : i32
      %add3A_673 = arith.addi %add3A_454, %add3A_672 : i32
      %add3A_674 = arith.constant 2 : i32
      %add3A_675 = arith.addi %add3A_673, %add3A_674 : i32
      %mul3A_676 = arith.constant 64 : i32
      %mul3A_677 = arith.muli %add3A_675, %mul3A_676 : i32
      %dma_start3A_678 = tpu.memref_slice %arg9[%mul3A_677] : memref<6400xi32, #tpu.memory_space<vmem>> -> memref<64xi32, #tpu.memory_space<vmem>>
      %dma_start3A_679 = arith.constant 0 : i32
      %dma_start3A_680 = arith.constant 0 : i32
      %dma_start3A_681 = tpu.memref_slice %arg5[%dma_start3A_679, %dma_start3A_680] : memref<100000x128xf32, #tpu.memory_space<hbm>> -> memref<100000x128xf32, #tpu.memory_space<hbm>>
      tpu.enqueue_indirect_dma source(%dma_start3A_681 : memref<100000x128xf32, #tpu.memory_space<hbm>>) target(%arg12 : memref<64x128xf32, #tpu.memory_space<vmem>>) offsets(%dma_start3A_678 : memref<64xi32, #tpu.memory_space<vmem>>) semaphore(%arg22 : memref<!tpu.dma_semaphore, #tpu.memory_space<semaphore_mem>>)
      %add3A_682 = arith.constant 3 : i32
      %add3A_683 = arith.addi %add3A_454, %add3A_682 : i32
      %mul3A_684 = arith.constant 64 : i32
      %mul3A_685 = arith.muli %add3A_683, %mul3A_684 : i32
      %add3A_686 = arith.addi %mul3A_2, %mul3A_685 : i32
      %dma_wait3A_687 = arith.constant 0 : i32
      %dma_wait3A_688 = tpu.memref_slice %arg7[%add3A_686, %dma_wait3A_687] : memref<204800x128xf32, #tpu.memory_space<hbm>> -> memref<64x128xf32, #tpu.memory_space<hbm>>
      %dma_wait3A_689 = arith.constant 0 : i32
      %dma_wait3A_690 = tpu.memref_slice %arg7[%add3A_686, %dma_wait3A_689] : memref<204800x128xf32, #tpu.memory_space<hbm>> -> memref<64x128xf32, #tpu.memory_space<hbm>>
      tpu.wait_dma2 semaphore(%arg33 : memref<!tpu.dma_semaphore, #tpu.memory_space<semaphore_mem>>) src(%arg13 : memref<64x128xf32, #tpu.memory_space<vmem>>) dst(%dma_wait3A_690 : memref<64x128xf32, #tpu.memory_space<hbm>>)
      %add3A_691 = arith.constant 10 : i32
      %add3A_692 = arith.addi %add3A_454, %add3A_691 : i32
      %add3A_693 = arith.constant 3 : i32
      %add3A_694 = arith.addi %add3A_692, %add3A_693 : i32
      %mul3A_695 = arith.constant 64 : i32
      %mul3A_696 = arith.muli %add3A_694, %mul3A_695 : i32
      %dma_start3A_697 = tpu.memref_slice %arg9[%mul3A_696] : memref<6400xi32, #tpu.memory_space<vmem>> -> memref<64xi32, #tpu.memory_space<vmem>>
      %dma_start3A_698 = arith.constant 0 : i32
      %dma_start3A_699 = arith.constant 0 : i32
      %dma_start3A_700 = tpu.memref_slice %arg5[%dma_start3A_698, %dma_start3A_699] : memref<100000x128xf32, #tpu.memory_space<hbm>> -> memref<100000x128xf32, #tpu.memory_space<hbm>>
      tpu.enqueue_indirect_dma source(%dma_start3A_700 : memref<100000x128xf32, #tpu.memory_space<hbm>>) target(%arg13 : memref<64x128xf32, #tpu.memory_space<vmem>>) offsets(%dma_start3A_697 : memref<64xi32, #tpu.memory_space<vmem>>) semaphore(%arg23 : memref<!tpu.dma_semaphore, #tpu.memory_space<semaphore_mem>>)
      %add3A_701 = arith.constant 4 : i32
      %add3A_702 = arith.addi %add3A_454, %add3A_701 : i32
      %mul3A_703 = arith.constant 64 : i32
      %mul3A_704 = arith.muli %add3A_702, %mul3A_703 : i32
      %add3A_705 = arith.addi %mul3A_2, %mul3A_704 : i32
      %dma_wait3A_706 = arith.constant 0 : i32
      %dma_wait3A_707 = tpu.memref_slice %arg7[%add3A_705, %dma_wait3A_706] : memref<204800x128xf32, #tpu.memory_space<hbm>> -> memref<64x128xf32, #tpu.memory_space<hbm>>
      %dma_wait3A_708 = arith.constant 0 : i32
      %dma_wait3A_709 = tpu.memref_slice %arg7[%add3A_705, %dma_wait3A_708] : memref<204800x128xf32, #tpu.memory_space<hbm>> -> memref<64x128xf32, #tpu.memory_space<hbm>>
      tpu.wait_dma2 semaphore(%arg34 : memref<!tpu.dma_semaphore, #tpu.memory_space<semaphore_mem>>) src(%arg14 : memref<64x128xf32, #tpu.memory_space<vmem>>) dst(%dma_wait3A_709 : memref<64x128xf32, #tpu.memory_space<hbm>>)
      %add3A_710 = arith.constant 10 : i32
      %add3A_711 = arith.addi %add3A_454, %add3A_710 : i32
      %add3A_712 = arith.constant 4 : i32
      %add3A_713 = arith.addi %add3A_711, %add3A_712 : i32
      %mul3A_714 = arith.constant 64 : i32
      %mul3A_715 = arith.muli %add3A_713, %mul3A_714 : i32
      %dma_start3A_716 = tpu.memref_slice %arg9[%mul3A_715] : memref<6400xi32, #tpu.memory_space<vmem>> -> memref<64xi32, #tpu.memory_space<vmem>>
      %dma_start3A_717 = arith.constant 0 : i32
      %dma_start3A_718 = arith.constant 0 : i32
      %dma_start3A_719 = tpu.memref_slice %arg5[%dma_start3A_717, %dma_start3A_718] : memref<100000x128xf32, #tpu.memory_space<hbm>> -> memref<100000x128xf32, #tpu.memory_space<hbm>>
      tpu.enqueue_indirect_dma source(%dma_start3A_719 : memref<100000x128xf32, #tpu.memory_space<hbm>>) target(%arg14 : memref<64x128xf32, #tpu.memory_space<vmem>>) offsets(%dma_start3A_716 : memref<64xi32, #tpu.memory_space<vmem>>) semaphore(%arg24 : memref<!tpu.dma_semaphore, #tpu.memory_space<semaphore_mem>>)
      %add3A_720 = arith.constant 5 : i32
      %add3A_721 = arith.addi %add3A_454, %add3A_720 : i32
      %mul3A_722 = arith.constant 64 : i32
      %mul3A_723 = arith.muli %add3A_721, %mul3A_722 : i32
      %add3A_724 = arith.addi %mul3A_2, %mul3A_723 : i32
      %dma_wait3A_725 = arith.constant 0 : i32
      %dma_wait3A_726 = tpu.memref_slice %arg7[%add3A_724, %dma_wait3A_725] : memref<204800x128xf32, #tpu.memory_space<hbm>> -> memref<64x128xf32, #tpu.memory_space<hbm>>
      %dma_wait3A_727 = arith.constant 0 : i32
      %dma_wait3A_728 = tpu.memref_slice %arg7[%add3A_724, %dma_wait3A_727] : memref<204800x128xf32, #tpu.memory_space<hbm>> -> memref<64x128xf32, #tpu.memory_space<hbm>>
      tpu.wait_dma2 semaphore(%arg35 : memref<!tpu.dma_semaphore, #tpu.memory_space<semaphore_mem>>) src(%arg15 : memref<64x128xf32, #tpu.memory_space<vmem>>) dst(%dma_wait3A_728 : memref<64x128xf32, #tpu.memory_space<hbm>>)
      %add3A_729 = arith.constant 10 : i32
      %add3A_730 = arith.addi %add3A_454, %add3A_729 : i32
      %add3A_731 = arith.constant 5 : i32
      %add3A_732 = arith.addi %add3A_730, %add3A_731 : i32
      %mul3A_733 = arith.constant 64 : i32
      %mul3A_734 = arith.muli %add3A_732, %mul3A_733 : i32
      %dma_start3A_735 = tpu.memref_slice %arg9[%mul3A_734] : memref<6400xi32, #tpu.memory_space<vmem>> -> memref<64xi32, #tpu.memory_space<vmem>>
      %dma_start3A_736 = arith.constant 0 : i32
      %dma_start3A_737 = arith.constant 0 : i32
      %dma_start3A_738 = tpu.memref_slice %arg5[%dma_start3A_736, %dma_start3A_737] : memref<100000x128xf32, #tpu.memory_space<hbm>> -> memref<100000x128xf32, #tpu.memory_space<hbm>>
      tpu.enqueue_indirect_dma source(%dma_start3A_738 : memref<100000x128xf32, #tpu.memory_space<hbm>>) target(%arg15 : memref<64x128xf32, #tpu.memory_space<vmem>>) offsets(%dma_start3A_735 : memref<64xi32, #tpu.memory_space<vmem>>) semaphore(%arg25 : memref<!tpu.dma_semaphore, #tpu.memory_space<semaphore_mem>>)
      %add3A_739 = arith.constant 6 : i32
      %add3A_740 = arith.addi %add3A_454, %add3A_739 : i32
      %mul3A_741 = arith.constant 64 : i32
      %mul3A_742 = arith.muli %add3A_740, %mul3A_741 : i32
      %add3A_743 = arith.addi %mul3A_2, %mul3A_742 : i32
      %dma_wait3A_744 = arith.constant 0 : i32
      %dma_wait3A_745 = tpu.memref_slice %arg7[%add3A_743, %dma_wait3A_744] : memref<204800x128xf32, #tpu.memory_space<hbm>> -> memref<64x128xf32, #tpu.memory_space<hbm>>
      %dma_wait3A_746 = arith.constant 0 : i32
      %dma_wait3A_747 = tpu.memref_slice %arg7[%add3A_743, %dma_wait3A_746] : memref<204800x128xf32, #tpu.memory_space<hbm>> -> memref<64x128xf32, #tpu.memory_space<hbm>>
      tpu.wait_dma2 semaphore(%arg36 : memref<!tpu.dma_semaphore, #tpu.memory_space<semaphore_mem>>) src(%arg16 : memref<64x128xf32, #tpu.memory_space<vmem>>) dst(%dma_wait3A_747 : memref<64x128xf32, #tpu.memory_space<hbm>>)
      %add3A_748 = arith.constant 10 : i32
      %add3A_749 = arith.addi %add3A_454, %add3A_748 : i32
      %add3A_750 = arith.constant 6 : i32
      %add3A_751 = arith.addi %add3A_749, %add3A_750 : i32
      %mul3A_752 = arith.constant 64 : i32
      %mul3A_753 = arith.muli %add3A_751, %mul3A_752 : i32
      %dma_start3A_754 = tpu.memref_slice %arg9[%mul3A_753] : memref<6400xi32, #tpu.memory_space<vmem>> -> memref<64xi32, #tpu.memory_space<vmem>>
      %dma_start3A_755 = arith.constant 0 : i32
      %dma_start3A_756 = arith.constant 0 : i32
      %dma_start3A_757 = tpu.memref_slice %arg5[%dma_start3A_755, %dma_start3A_756] : memref<100000x128xf32, #tpu.memory_space<hbm>> -> memref<100000x128xf32, #tpu.memory_space<hbm>>
      tpu.enqueue_indirect_dma source(%dma_start3A_757 : memref<100000x128xf32, #tpu.memory_space<hbm>>) target(%arg16 : memref<64x128xf32, #tpu.memory_space<vmem>>) offsets(%dma_start3A_754 : memref<64xi32, #tpu.memory_space<vmem>>) semaphore(%arg26 : memref<!tpu.dma_semaphore, #tpu.memory_space<semaphore_mem>>)
      %add3A_758 = arith.constant 7 : i32
      %add3A_759 = arith.addi %add3A_454, %add3A_758 : i32
      %mul3A_760 = arith.constant 64 : i32
      %mul3A_761 = arith.muli %add3A_759, %mul3A_760 : i32
      %add3A_762 = arith.addi %mul3A_2, %mul3A_761 : i32
      %dma_wait3A_763 = arith.constant 0 : i32
      %dma_wait3A_764 = tpu.memref_slice %arg7[%add3A_762, %dma_wait3A_763] : memref<204800x128xf32, #tpu.memory_space<hbm>> -> memref<64x128xf32, #tpu.memory_space<hbm>>
      %dma_wait3A_765 = arith.constant 0 : i32
      %dma_wait3A_766 = tpu.memref_slice %arg7[%add3A_762, %dma_wait3A_765] : memref<204800x128xf32, #tpu.memory_space<hbm>> -> memref<64x128xf32, #tpu.memory_space<hbm>>
      tpu.wait_dma2 semaphore(%arg37 : memref<!tpu.dma_semaphore, #tpu.memory_space<semaphore_mem>>) src(%arg17 : memref<64x128xf32, #tpu.memory_space<vmem>>) dst(%dma_wait3A_766 : memref<64x128xf32, #tpu.memory_space<hbm>>)
      %add3A_767 = arith.constant 10 : i32
      %add3A_768 = arith.addi %add3A_454, %add3A_767 : i32
      %add3A_769 = arith.constant 7 : i32
      %add3A_770 = arith.addi %add3A_768, %add3A_769 : i32
      %mul3A_771 = arith.constant 64 : i32
      %mul3A_772 = arith.muli %add3A_770, %mul3A_771 : i32
      %dma_start3A_773 = tpu.memref_slice %arg9[%mul3A_772] : memref<6400xi32, #tpu.memory_space<vmem>> -> memref<64xi32, #tpu.memory_space<vmem>>
      %dma_start3A_774 = arith.constant 0 : i32
      %dma_start3A_775 = arith.constant 0 : i32
      %dma_start3A_776 = tpu.memref_slice %arg5[%dma_start3A_774, %dma_start3A_775] : memref<100000x128xf32, #tpu.memory_space<hbm>> -> memref<100000x128xf32, #tpu.memory_space<hbm>>
      tpu.enqueue_indirect_dma source(%dma_start3A_776 : memref<100000x128xf32, #tpu.memory_space<hbm>>) target(%arg17 : memref<64x128xf32, #tpu.memory_space<vmem>>) offsets(%dma_start3A_773 : memref<64xi32, #tpu.memory_space<vmem>>) semaphore(%arg27 : memref<!tpu.dma_semaphore, #tpu.memory_space<semaphore_mem>>)
      %add3A_777 = arith.constant 8 : i32
      %add3A_778 = arith.addi %add3A_454, %add3A_777 : i32
      %mul3A_779 = arith.constant 64 : i32
      %mul3A_780 = arith.muli %add3A_778, %mul3A_779 : i32
      %add3A_781 = arith.addi %mul3A_2, %mul3A_780 : i32
      %dma_wait3A_782 = arith.constant 0 : i32
      %dma_wait3A_783 = tpu.memref_slice %arg7[%add3A_781, %dma_wait3A_782] : memref<204800x128xf32, #tpu.memory_space<hbm>> -> memref<64x128xf32, #tpu.memory_space<hbm>>
      %dma_wait3A_784 = arith.constant 0 : i32
      %dma_wait3A_785 = tpu.memref_slice %arg7[%add3A_781, %dma_wait3A_784] : memref<204800x128xf32, #tpu.memory_space<hbm>> -> memref<64x128xf32, #tpu.memory_space<hbm>>
      tpu.wait_dma2 semaphore(%arg38 : memref<!tpu.dma_semaphore, #tpu.memory_space<semaphore_mem>>) src(%arg18 : memref<64x128xf32, #tpu.memory_space<vmem>>) dst(%dma_wait3A_785 : memref<64x128xf32, #tpu.memory_space<hbm>>)
      %add3A_786 = arith.constant 10 : i32
      %add3A_787 = arith.addi %add3A_454, %add3A_786 : i32
      %add3A_788 = arith.constant 8 : i32
      %add3A_789 = arith.addi %add3A_787, %add3A_788 : i32
      %mul3A_790 = arith.constant 64 : i32
      %mul3A_791 = arith.muli %add3A_789, %mul3A_790 : i32
      %dma_start3A_792 = tpu.memref_slice %arg9[%mul3A_791] : memref<6400xi32, #tpu.memory_space<vmem>> -> memref<64xi32, #tpu.memory_space<vmem>>
      %dma_start3A_793 = arith.constant 0 : i32
      %dma_start3A_794 = arith.constant 0 : i32
      %dma_start3A_795 = tpu.memref_slice %arg5[%dma_start3A_793, %dma_start3A_794] : memref<100000x128xf32, #tpu.memory_space<hbm>> -> memref<100000x128xf32, #tpu.memory_space<hbm>>
      tpu.enqueue_indirect_dma source(%dma_start3A_795 : memref<100000x128xf32, #tpu.memory_space<hbm>>) target(%arg18 : memref<64x128xf32, #tpu.memory_space<vmem>>) offsets(%dma_start3A_792 : memref<64xi32, #tpu.memory_space<vmem>>) semaphore(%arg28 : memref<!tpu.dma_semaphore, #tpu.memory_space<semaphore_mem>>)
      %add3A_796 = arith.constant 9 : i32
      %add3A_797 = arith.addi %add3A_454, %add3A_796 : i32
      %mul3A_798 = arith.constant 64 : i32
      %mul3A_799 = arith.muli %add3A_797, %mul3A_798 : i32
      %add3A_800 = arith.addi %mul3A_2, %mul3A_799 : i32
      %dma_wait3A_801 = arith.constant 0 : i32
      %dma_wait3A_802 = tpu.memref_slice %arg7[%add3A_800, %dma_wait3A_801] : memref<204800x128xf32, #tpu.memory_space<hbm>> -> memref<64x128xf32, #tpu.memory_space<hbm>>
      %dma_wait3A_803 = arith.constant 0 : i32
      %dma_wait3A_804 = tpu.memref_slice %arg7[%add3A_800, %dma_wait3A_803] : memref<204800x128xf32, #tpu.memory_space<hbm>> -> memref<64x128xf32, #tpu.memory_space<hbm>>
      tpu.wait_dma2 semaphore(%arg39 : memref<!tpu.dma_semaphore, #tpu.memory_space<semaphore_mem>>) src(%arg19 : memref<64x128xf32, #tpu.memory_space<vmem>>) dst(%dma_wait3A_804 : memref<64x128xf32, #tpu.memory_space<hbm>>)
      %add3A_805 = arith.constant 10 : i32
      %add3A_806 = arith.addi %add3A_454, %add3A_805 : i32
      %add3A_807 = arith.constant 9 : i32
      %add3A_808 = arith.addi %add3A_806, %add3A_807 : i32
      %mul3A_809 = arith.constant 64 : i32
      %mul3A_810 = arith.muli %add3A_808, %mul3A_809 : i32
      %dma_start3A_811 = tpu.memref_slice %arg9[%mul3A_810] : memref<6400xi32, #tpu.memory_space<vmem>> -> memref<64xi32, #tpu.memory_space<vmem>>
      %dma_start3A_812 = arith.constant 0 : i32
      %dma_start3A_813 = arith.constant 0 : i32
      %dma_start3A_814 = tpu.memref_slice %arg5[%dma_start3A_812, %dma_start3A_813] : memref<100000x128xf32, #tpu.memory_space<hbm>> -> memref<100000x128xf32, #tpu.memory_space<hbm>>
      tpu.enqueue_indirect_dma source(%dma_start3A_814 : memref<100000x128xf32, #tpu.memory_space<hbm>>) target(%arg19 : memref<64x128xf32, #tpu.memory_space<vmem>>) offsets(%dma_start3A_811 : memref<64xi32, #tpu.memory_space<vmem>>) semaphore(%arg29 : memref<!tpu.dma_semaphore, #tpu.memory_space<semaphore_mem>>)
    }
    %scan3A_279 = arith.constant 9 : i32
    %dma_wait3A_280 = arith.constant 5760 : i32
    %dma_wait3A_281 = tpu.memref_slice %arg9[%dma_wait3A_280] : memref<6400xi32, #tpu.memory_space<vmem>> -> memref<64xi32, #tpu.memory_space<vmem>>
    %dma_wait3A_282 = arith.constant 0 : i32
    %dma_wait3A_283 = arith.constant 0 : i32
    %dma_wait3A_284 = tpu.memref_slice %arg5[%dma_wait3A_282, %dma_wait3A_283] : memref<100000x128xf32, #tpu.memory_space<hbm>> -> memref<100000x128xf32, #tpu.memory_space<hbm>>
    tpu.wait_indirect_dma semaphore(%arg20 : memref<!tpu.dma_semaphore, #tpu.memory_space<semaphore_mem>>) src(%dma_wait3A_284 : memref<100000x128xf32, #tpu.memory_space<hbm>>) dst(%arg10 : memref<64x128xf32, #tpu.memory_space<vmem>>)
    %add3A_285 = arith.constant 5760 : i32
    %add3A_286 = arith.addi %mul3A_2, %add3A_285 : i32
    %dma_start3A_287 = arith.constant 0 : i32
    %dma_start3A_288 = tpu.memref_slice %arg7[%add3A_286, %dma_start3A_287] : memref<204800x128xf32, #tpu.memory_space<hbm>> -> memref<64x128xf32, #tpu.memory_space<hbm>>
    %dma_start3A_289 = arith.constant 0 : i32
    %dma_start3A_290 = tpu.memref_slice %arg7[%add3A_286, %dma_start3A_289] : memref<204800x128xf32, #tpu.memory_space<hbm>> -> memref<64x128xf32, #tpu.memory_space<hbm>>
    tpu.enqueue_dma source(%arg10 : memref<64x128xf32, #tpu.memory_space<vmem>>) target(%dma_start3A_290 : memref<64x128xf32, #tpu.memory_space<hbm>>) target_semaphore(%arg30 : memref<!tpu.dma_semaphore, #tpu.memory_space<semaphore_mem>>)
    %dma_wait3A_291 = arith.constant 5824 : i32
    %dma_wait3A_292 = tpu.memref_slice %arg9[%dma_wait3A_291] : memref<6400xi32, #tpu.memory_space<vmem>> -> memref<64xi32, #tpu.memory_space<vmem>>
    %dma_wait3A_293 = arith.constant 0 : i32
    %dma_wait3A_294 = arith.constant 0 : i32
    %dma_wait3A_295 = tpu.memref_slice %arg5[%dma_wait3A_293, %dma_wait3A_294] : memref<100000x128xf32, #tpu.memory_space<hbm>> -> memref<100000x128xf32, #tpu.memory_space<hbm>>
    tpu.wait_indirect_dma semaphore(%arg21 : memref<!tpu.dma_semaphore, #tpu.memory_space<semaphore_mem>>) src(%dma_wait3A_295 : memref<100000x128xf32, #tpu.memory_space<hbm>>) dst(%arg11 : memref<64x128xf32, #tpu.memory_space<vmem>>)
    %add3A_296 = arith.constant 5824 : i32
    %add3A_297 = arith.addi %mul3A_2, %add3A_296 : i32
    %dma_start3A_298 = arith.constant 0 : i32
    %dma_start3A_299 = tpu.memref_slice %arg7[%add3A_297, %dma_start3A_298] : memref<204800x128xf32, #tpu.memory_space<hbm>> -> memref<64x128xf32, #tpu.memory_space<hbm>>
    %dma_start3A_300 = arith.constant 0 : i32
    %dma_start3A_301 = tpu.memref_slice %arg7[%add3A_297, %dma_start3A_300] : memref<204800x128xf32, #tpu.memory_space<hbm>> -> memref<64x128xf32, #tpu.memory_space<hbm>>
    tpu.enqueue_dma source(%arg11 : memref<64x128xf32, #tpu.memory_space<vmem>>) target(%dma_start3A_301 : memref<64x128xf32, #tpu.memory_space<hbm>>) target_semaphore(%arg31 : memref<!tpu.dma_semaphore, #tpu.memory_space<semaphore_mem>>)
    %dma_wait3A_302 = arith.constant 5888 : i32
    %dma_wait3A_303 = tpu.memref_slice %arg9[%dma_wait3A_302] : memref<6400xi32, #tpu.memory_space<vmem>> -> memref<64xi32, #tpu.memory_space<vmem>>
    %dma_wait3A_304 = arith.constant 0 : i32
    %dma_wait3A_305 = arith.constant 0 : i32
    %dma_wait3A_306 = tpu.memref_slice %arg5[%dma_wait3A_304, %dma_wait3A_305] : memref<100000x128xf32, #tpu.memory_space<hbm>> -> memref<100000x128xf32, #tpu.memory_space<hbm>>
    tpu.wait_indirect_dma semaphore(%arg22 : memref<!tpu.dma_semaphore, #tpu.memory_space<semaphore_mem>>) src(%dma_wait3A_306 : memref<100000x128xf32, #tpu.memory_space<hbm>>) dst(%arg12 : memref<64x128xf32, #tpu.memory_space<vmem>>)
    %add3A_307 = arith.constant 5888 : i32
    %add3A_308 = arith.addi %mul3A_2, %add3A_307 : i32
    %dma_start3A_309 = arith.constant 0 : i32
    %dma_start3A_310 = tpu.memref_slice %arg7[%add3A_308, %dma_start3A_309] : memref<204800x128xf32, #tpu.memory_space<hbm>> -> memref<64x128xf32, #tpu.memory_space<hbm>>
    %dma_start3A_311 = arith.constant 0 : i32
    %dma_start3A_312 = tpu.memref_slice %arg7[%add3A_308, %dma_start3A_311] : memref<204800x128xf32, #tpu.memory_space<hbm>> -> memref<64x128xf32, #tpu.memory_space<hbm>>
    tpu.enqueue_dma source(%arg12 : memref<64x128xf32, #tpu.memory_space<vmem>>) target(%dma_start3A_312 : memref<64x128xf32, #tpu.memory_space<hbm>>) target_semaphore(%arg32 : memref<!tpu.dma_semaphore, #tpu.memory_space<semaphore_mem>>)
    %dma_wait3A_313 = arith.constant 5952 : i32
    %dma_wait3A_314 = tpu.memref_slice %arg9[%dma_wait3A_313] : memref<6400xi32, #tpu.memory_space<vmem>> -> memref<64xi32, #tpu.memory_space<vmem>>
    %dma_wait3A_315 = arith.constant 0 : i32
    %dma_wait3A_316 = arith.constant 0 : i32
    %dma_wait3A_317 = tpu.memref_slice %arg5[%dma_wait3A_315, %dma_wait3A_316] : memref<100000x128xf32, #tpu.memory_space<hbm>> -> memref<100000x128xf32, #tpu.memory_space<hbm>>
    tpu.wait_indirect_dma semaphore(%arg23 : memref<!tpu.dma_semaphore, #tpu.memory_space<semaphore_mem>>) src(%dma_wait3A_317 : memref<100000x128xf32, #tpu.memory_space<hbm>>) dst(%arg13 : memref<64x128xf32, #tpu.memory_space<vmem>>)
    %add3A_318 = arith.constant 5952 : i32
    %add3A_319 = arith.addi %mul3A_2, %add3A_318 : i32
    %dma_start3A_320 = arith.constant 0 : i32
    %dma_start3A_321 = tpu.memref_slice %arg7[%add3A_319, %dma_start3A_320] : memref<204800x128xf32, #tpu.memory_space<hbm>> -> memref<64x128xf32, #tpu.memory_space<hbm>>
    %dma_start3A_322 = arith.constant 0 : i32
    %dma_start3A_323 = tpu.memref_slice %arg7[%add3A_319, %dma_start3A_322] : memref<204800x128xf32, #tpu.memory_space<hbm>> -> memref<64x128xf32, #tpu.memory_space<hbm>>
    tpu.enqueue_dma source(%arg13 : memref<64x128xf32, #tpu.memory_space<vmem>>) target(%dma_start3A_323 : memref<64x128xf32, #tpu.memory_space<hbm>>) target_semaphore(%arg33 : memref<!tpu.dma_semaphore, #tpu.memory_space<semaphore_mem>>)
    %dma_wait3A_324 = arith.constant 6016 : i32
    %dma_wait3A_325 = tpu.memref_slice %arg9[%dma_wait3A_324] : memref<6400xi32, #tpu.memory_space<vmem>> -> memref<64xi32, #tpu.memory_space<vmem>>
    %dma_wait3A_326 = arith.constant 0 : i32
    %dma_wait3A_327 = arith.constant 0 : i32
    %dma_wait3A_328 = tpu.memref_slice %arg5[%dma_wait3A_326, %dma_wait3A_327] : memref<100000x128xf32, #tpu.memory_space<hbm>> -> memref<100000x128xf32, #tpu.memory_space<hbm>>
    tpu.wait_indirect_dma semaphore(%arg24 : memref<!tpu.dma_semaphore, #tpu.memory_space<semaphore_mem>>) src(%dma_wait3A_328 : memref<100000x128xf32, #tpu.memory_space<hbm>>) dst(%arg14 : memref<64x128xf32, #tpu.memory_space<vmem>>)
    %add3A_329 = arith.constant 6016 : i32
    %add3A_330 = arith.addi %mul3A_2, %add3A_329 : i32
    %dma_start3A_331 = arith.constant 0 : i32
    %dma_start3A_332 = tpu.memref_slice %arg7[%add3A_330, %dma_start3A_331] : memref<204800x128xf32, #tpu.memory_space<hbm>> -> memref<64x128xf32, #tpu.memory_space<hbm>>
    %dma_start3A_333 = arith.constant 0 : i32
    %dma_start3A_334 = tpu.memref_slice %arg7[%add3A_330, %dma_start3A_333] : memref<204800x128xf32, #tpu.memory_space<hbm>> -> memref<64x128xf32, #tpu.memory_space<hbm>>
    tpu.enqueue_dma source(%arg14 : memref<64x128xf32, #tpu.memory_space<vmem>>) target(%dma_start3A_334 : memref<64x128xf32, #tpu.memory_space<hbm>>) target_semaphore(%arg34 : memref<!tpu.dma_semaphore, #tpu.memory_space<semaphore_mem>>)
    %dma_wait3A_335 = arith.constant 6080 : i32
    %dma_wait3A_336 = tpu.memref_slice %arg9[%dma_wait3A_335] : memref<6400xi32, #tpu.memory_space<vmem>> -> memref<64xi32, #tpu.memory_space<vmem>>
    %dma_wait3A_337 = arith.constant 0 : i32
    %dma_wait3A_338 = arith.constant 0 : i32
    %dma_wait3A_339 = tpu.memref_slice %arg5[%dma_wait3A_337, %dma_wait3A_338] : memref<100000x128xf32, #tpu.memory_space<hbm>> -> memref<100000x128xf32, #tpu.memory_space<hbm>>
    tpu.wait_indirect_dma semaphore(%arg25 : memref<!tpu.dma_semaphore, #tpu.memory_space<semaphore_mem>>) src(%dma_wait3A_339 : memref<100000x128xf32, #tpu.memory_space<hbm>>) dst(%arg15 : memref<64x128xf32, #tpu.memory_space<vmem>>)
    %add3A_340 = arith.constant 6080 : i32
    %add3A_341 = arith.addi %mul3A_2, %add3A_340 : i32
    %dma_start3A_342 = arith.constant 0 : i32
    %dma_start3A_343 = tpu.memref_slice %arg7[%add3A_341, %dma_start3A_342] : memref<204800x128xf32, #tpu.memory_space<hbm>> -> memref<64x128xf32, #tpu.memory_space<hbm>>
    %dma_start3A_344 = arith.constant 0 : i32
    %dma_start3A_345 = tpu.memref_slice %arg7[%add3A_341, %dma_start3A_344] : memref<204800x128xf32, #tpu.memory_space<hbm>> -> memref<64x128xf32, #tpu.memory_space<hbm>>
    tpu.enqueue_dma source(%arg15 : memref<64x128xf32, #tpu.memory_space<vmem>>) target(%dma_start3A_345 : memref<64x128xf32, #tpu.memory_space<hbm>>) target_semaphore(%arg35 : memref<!tpu.dma_semaphore, #tpu.memory_space<semaphore_mem>>)
    %dma_wait3A_346 = arith.constant 6144 : i32
    %dma_wait3A_347 = tpu.memref_slice %arg9[%dma_wait3A_346] : memref<6400xi32, #tpu.memory_space<vmem>> -> memref<64xi32, #tpu.memory_space<vmem>>
    %dma_wait3A_348 = arith.constant 0 : i32
    %dma_wait3A_349 = arith.constant 0 : i32
    %dma_wait3A_350 = tpu.memref_slice %arg5[%dma_wait3A_348, %dma_wait3A_349] : memref<100000x128xf32, #tpu.memory_space<hbm>> -> memref<100000x128xf32, #tpu.memory_space<hbm>>
    tpu.wait_indirect_dma semaphore(%arg26 : memref<!tpu.dma_semaphore, #tpu.memory_space<semaphore_mem>>) src(%dma_wait3A_350 : memref<100000x128xf32, #tpu.memory_space<hbm>>) dst(%arg16 : memref<64x128xf32, #tpu.memory_space<vmem>>)
    %add3A_351 = arith.constant 6144 : i32
    %add3A_352 = arith.addi %mul3A_2, %add3A_351 : i32
    %dma_start3A_353 = arith.constant 0 : i32
    %dma_start3A_354 = tpu.memref_slice %arg7[%add3A_352, %dma_start3A_353] : memref<204800x128xf32, #tpu.memory_space<hbm>> -> memref<64x128xf32, #tpu.memory_space<hbm>>
    %dma_start3A_355 = arith.constant 0 : i32
    %dma_start3A_356 = tpu.memref_slice %arg7[%add3A_352, %dma_start3A_355] : memref<204800x128xf32, #tpu.memory_space<hbm>> -> memref<64x128xf32, #tpu.memory_space<hbm>>
    tpu.enqueue_dma source(%arg16 : memref<64x128xf32, #tpu.memory_space<vmem>>) target(%dma_start3A_356 : memref<64x128xf32, #tpu.memory_space<hbm>>) target_semaphore(%arg36 : memref<!tpu.dma_semaphore, #tpu.memory_space<semaphore_mem>>)
    %dma_wait3A_357 = arith.constant 6208 : i32
    %dma_wait3A_358 = tpu.memref_slice %arg9[%dma_wait3A_357] : memref<6400xi32, #tpu.memory_space<vmem>> -> memref<64xi32, #tpu.memory_space<vmem>>
    %dma_wait3A_359 = arith.constant 0 : i32
    %dma_wait3A_360 = arith.constant 0 : i32
    %dma_wait3A_361 = tpu.memref_slice %arg5[%dma_wait3A_359, %dma_wait3A_360] : memref<100000x128xf32, #tpu.memory_space<hbm>> -> memref<100000x128xf32, #tpu.memory_space<hbm>>
    tpu.wait_indirect_dma semaphore(%arg27 : memref<!tpu.dma_semaphore, #tpu.memory_space<semaphore_mem>>) src(%dma_wait3A_361 : memref<100000x128xf32, #tpu.memory_space<hbm>>) dst(%arg17 : memref<64x128xf32, #tpu.memory_space<vmem>>)
    %add3A_362 = arith.constant 6208 : i32
    %add3A_363 = arith.addi %mul3A_2, %add3A_362 : i32
    %dma_start3A_364 = arith.constant 0 : i32
    %dma_start3A_365 = tpu.memref_slice %arg7[%add3A_363, %dma_start3A_364] : memref<204800x128xf32, #tpu.memory_space<hbm>> -> memref<64x128xf32, #tpu.memory_space<hbm>>
    %dma_start3A_366 = arith.constant 0 : i32
    %dma_start3A_367 = tpu.memref_slice %arg7[%add3A_363, %dma_start3A_366] : memref<204800x128xf32, #tpu.memory_space<hbm>> -> memref<64x128xf32, #tpu.memory_space<hbm>>
    tpu.enqueue_dma source(%arg17 : memref<64x128xf32, #tpu.memory_space<vmem>>) target(%dma_start3A_367 : memref<64x128xf32, #tpu.memory_space<hbm>>) target_semaphore(%arg37 : memref<!tpu.dma_semaphore, #tpu.memory_space<semaphore_mem>>)
    %dma_wait3A_368 = arith.constant 6272 : i32
    %dma_wait3A_369 = tpu.memref_slice %arg9[%dma_wait3A_368] : memref<6400xi32, #tpu.memory_space<vmem>> -> memref<64xi32, #tpu.memory_space<vmem>>
    %dma_wait3A_370 = arith.constant 0 : i32
    %dma_wait3A_371 = arith.constant 0 : i32
    %dma_wait3A_372 = tpu.memref_slice %arg5[%dma_wait3A_370, %dma_wait3A_371] : memref<100000x128xf32, #tpu.memory_space<hbm>> -> memref<100000x128xf32, #tpu.memory_space<hbm>>
    tpu.wait_indirect_dma semaphore(%arg28 : memref<!tpu.dma_semaphore, #tpu.memory_space<semaphore_mem>>) src(%dma_wait3A_372 : memref<100000x128xf32, #tpu.memory_space<hbm>>) dst(%arg18 : memref<64x128xf32, #tpu.memory_space<vmem>>)
    %add3A_373 = arith.constant 6272 : i32
    %add3A_374 = arith.addi %mul3A_2, %add3A_373 : i32
    %dma_start3A_375 = arith.constant 0 : i32
    %dma_start3A_376 = tpu.memref_slice %arg7[%add3A_374, %dma_start3A_375] : memref<204800x128xf32, #tpu.memory_space<hbm>> -> memref<64x128xf32, #tpu.memory_space<hbm>>
    %dma_start3A_377 = arith.constant 0 : i32
    %dma_start3A_378 = tpu.memref_slice %arg7[%add3A_374, %dma_start3A_377] : memref<204800x128xf32, #tpu.memory_space<hbm>> -> memref<64x128xf32, #tpu.memory_space<hbm>>
    tpu.enqueue_dma source(%arg18 : memref<64x128xf32, #tpu.memory_space<vmem>>) target(%dma_start3A_378 : memref<64x128xf32, #tpu.memory_space<hbm>>) target_semaphore(%arg38 : memref<!tpu.dma_semaphore, #tpu.memory_space<semaphore_mem>>)
    %dma_wait3A_379 = arith.constant 6336 : i32
    %dma_wait3A_380 = tpu.memref_slice %arg9[%dma_wait3A_379] : memref<6400xi32, #tpu.memory_space<vmem>> -> memref<64xi32, #tpu.memory_space<vmem>>
    %dma_wait3A_381 = arith.constant 0 : i32
    %dma_wait3A_382 = arith.constant 0 : i32
    %dma_wait3A_383 = tpu.memref_slice %arg5[%dma_wait3A_381, %dma_wait3A_382] : memref<100000x128xf32, #tpu.memory_space<hbm>> -> memref<100000x128xf32, #tpu.memory_space<hbm>>
    tpu.wait_indirect_dma semaphore(%arg29 : memref<!tpu.dma_semaphore, #tpu.memory_space<semaphore_mem>>) src(%dma_wait3A_383 : memref<100000x128xf32, #tpu.memory_space<hbm>>) dst(%arg19 : memref<64x128xf32, #tpu.memory_space<vmem>>)
    %add3A_384 = arith.constant 6336 : i32
    %add3A_385 = arith.addi %mul3A_2, %add3A_384 : i32
    %dma_start3A_386 = arith.constant 0 : i32
    %dma_start3A_387 = tpu.memref_slice %arg7[%add3A_385, %dma_start3A_386] : memref<204800x128xf32, #tpu.memory_space<hbm>> -> memref<64x128xf32, #tpu.memory_space<hbm>>
    %dma_start3A_388 = arith.constant 0 : i32
    %dma_start3A_389 = tpu.memref_slice %arg7[%add3A_385, %dma_start3A_388] : memref<204800x128xf32, #tpu.memory_space<hbm>> -> memref<64x128xf32, #tpu.memory_space<hbm>>
    tpu.enqueue_dma source(%arg19 : memref<64x128xf32, #tpu.memory_space<vmem>>) target(%dma_start3A_389 : memref<64x128xf32, #tpu.memory_space<hbm>>) target_semaphore(%arg39 : memref<!tpu.dma_semaphore, #tpu.memory_space<semaphore_mem>>)
    %add3A_390 = arith.constant 5760 : i32
    %add3A_391 = arith.addi %mul3A_2, %add3A_390 : i32
    %dma_wait3A_392 = arith.constant 0 : i32
    %dma_wait3A_393 = tpu.memref_slice %arg7[%add3A_391, %dma_wait3A_392] : memref<204800x128xf32, #tpu.memory_space<hbm>> -> memref<64x128xf32, #tpu.memory_space<hbm>>
    %dma_wait3A_394 = arith.constant 0 : i32
    %dma_wait3A_395 = tpu.memref_slice %arg7[%add3A_391, %dma_wait3A_394] : memref<204800x128xf32, #tpu.memory_space<hbm>> -> memref<64x128xf32, #tpu.memory_space<hbm>>
    tpu.wait_dma2 semaphore(%arg30 : memref<!tpu.dma_semaphore, #tpu.memory_space<semaphore_mem>>) src(%arg10 : memref<64x128xf32, #tpu.memory_space<vmem>>) dst(%dma_wait3A_395 : memref<64x128xf32, #tpu.memory_space<hbm>>)
    %add3A_396 = arith.constant 5824 : i32
    %add3A_397 = arith.addi %mul3A_2, %add3A_396 : i32
    %dma_wait3A_398 = arith.constant 0 : i32
    %dma_wait3A_399 = tpu.memref_slice %arg7[%add3A_397, %dma_wait3A_398] : memref<204800x128xf32, #tpu.memory_space<hbm>> -> memref<64x128xf32, #tpu.memory_space<hbm>>
    %dma_wait3A_400 = arith.constant 0 : i32
    %dma_wait3A_401 = tpu.memref_slice %arg7[%add3A_397, %dma_wait3A_400] : memref<204800x128xf32, #tpu.memory_space<hbm>> -> memref<64x128xf32, #tpu.memory_space<hbm>>
    tpu.wait_dma2 semaphore(%arg31 : memref<!tpu.dma_semaphore, #tpu.memory_space<semaphore_mem>>) src(%arg11 : memref<64x128xf32, #tpu.memory_space<vmem>>) dst(%dma_wait3A_401 : memref<64x128xf32, #tpu.memory_space<hbm>>)
    %add3A_402 = arith.constant 5888 : i32
    %add3A_403 = arith.addi %mul3A_2, %add3A_402 : i32
    %dma_wait3A_404 = arith.constant 0 : i32
    %dma_wait3A_405 = tpu.memref_slice %arg7[%add3A_403, %dma_wait3A_404] : memref<204800x128xf32, #tpu.memory_space<hbm>> -> memref<64x128xf32, #tpu.memory_space<hbm>>
    %dma_wait3A_406 = arith.constant 0 : i32
    %dma_wait3A_407 = tpu.memref_slice %arg7[%add3A_403, %dma_wait3A_406] : memref<204800x128xf32, #tpu.memory_space<hbm>> -> memref<64x128xf32, #tpu.memory_space<hbm>>
    tpu.wait_dma2 semaphore(%arg32 : memref<!tpu.dma_semaphore, #tpu.memory_space<semaphore_mem>>) src(%arg12 : memref<64x128xf32, #tpu.memory_space<vmem>>) dst(%dma_wait3A_407 : memref<64x128xf32, #tpu.memory_space<hbm>>)
    %add3A_408 = arith.constant 5952 : i32
    %add3A_409 = arith.addi %mul3A_2, %add3A_408 : i32
    %dma_wait3A_410 = arith.constant 0 : i32
    %dma_wait3A_411 = tpu.memref_slice %arg7[%add3A_409, %dma_wait3A_410] : memref<204800x128xf32, #tpu.memory_space<hbm>> -> memref<64x128xf32, #tpu.memory_space<hbm>>
    %dma_wait3A_412 = arith.constant 0 : i32
    %dma_wait3A_413 = tpu.memref_slice %arg7[%add3A_409, %dma_wait3A_412] : memref<204800x128xf32, #tpu.memory_space<hbm>> -> memref<64x128xf32, #tpu.memory_space<hbm>>
    tpu.wait_dma2 semaphore(%arg33 : memref<!tpu.dma_semaphore, #tpu.memory_space<semaphore_mem>>) src(%arg13 : memref<64x128xf32, #tpu.memory_space<vmem>>) dst(%dma_wait3A_413 : memref<64x128xf32, #tpu.memory_space<hbm>>)
    %add3A_414 = arith.constant 6016 : i32
    %add3A_415 = arith.addi %mul3A_2, %add3A_414 : i32
    %dma_wait3A_416 = arith.constant 0 : i32
    %dma_wait3A_417 = tpu.memref_slice %arg7[%add3A_415, %dma_wait3A_416] : memref<204800x128xf32, #tpu.memory_space<hbm>> -> memref<64x128xf32, #tpu.memory_space<hbm>>
    %dma_wait3A_418 = arith.constant 0 : i32
    %dma_wait3A_419 = tpu.memref_slice %arg7[%add3A_415, %dma_wait3A_418] : memref<204800x128xf32, #tpu.memory_space<hbm>> -> memref<64x128xf32, #tpu.memory_space<hbm>>
    tpu.wait_dma2 semaphore(%arg34 : memref<!tpu.dma_semaphore, #tpu.memory_space<semaphore_mem>>) src(%arg14 : memref<64x128xf32, #tpu.memory_space<vmem>>) dst(%dma_wait3A_419 : memref<64x128xf32, #tpu.memory_space<hbm>>)
    %add3A_420 = arith.constant 6080 : i32
    %add3A_421 = arith.addi %mul3A_2, %add3A_420 : i32
    %dma_wait3A_422 = arith.constant 0 : i32
    %dma_wait3A_423 = tpu.memref_slice %arg7[%add3A_421, %dma_wait3A_422] : memref<204800x128xf32, #tpu.memory_space<hbm>> -> memref<64x128xf32, #tpu.memory_space<hbm>>
    %dma_wait3A_424 = arith.constant 0 : i32
    %dma_wait3A_425 = tpu.memref_slice %arg7[%add3A_421, %dma_wait3A_424] : memref<204800x128xf32, #tpu.memory_space<hbm>> -> memref<64x128xf32, #tpu.memory_space<hbm>>
    tpu.wait_dma2 semaphore(%arg35 : memref<!tpu.dma_semaphore, #tpu.memory_space<semaphore_mem>>) src(%arg15 : memref<64x128xf32, #tpu.memory_space<vmem>>) dst(%dma_wait3A_425 : memref<64x128xf32, #tpu.memory_space<hbm>>)
    %add3A_426 = arith.constant 6144 : i32
    %add3A_427 = arith.addi %mul3A_2, %add3A_426 : i32
    %dma_wait3A_428 = arith.constant 0 : i32
    %dma_wait3A_429 = tpu.memref_slice %arg7[%add3A_427, %dma_wait3A_428] : memref<204800x128xf32, #tpu.memory_space<hbm>> -> memref<64x128xf32, #tpu.memory_space<hbm>>
    %dma_wait3A_430 = arith.constant 0 : i32
    %dma_wait3A_431 = tpu.memref_slice %arg7[%add3A_427, %dma_wait3A_430] : memref<204800x128xf32, #tpu.memory_space<hbm>> -> memref<64x128xf32, #tpu.memory_space<hbm>>
    tpu.wait_dma2 semaphore(%arg36 : memref<!tpu.dma_semaphore, #tpu.memory_space<semaphore_mem>>) src(%arg16 : memref<64x128xf32, #tpu.memory_space<vmem>>) dst(%dma_wait3A_431 : memref<64x128xf32, #tpu.memory_space<hbm>>)
    %add3A_432 = arith.constant 6208 : i32
    %add3A_433 = arith.addi %mul3A_2, %add3A_432 : i32
    %dma_wait3A_434 = arith.constant 0 : i32
    %dma_wait3A_435 = tpu.memref_slice %arg7[%add3A_433, %dma_wait3A_434] : memref<204800x128xf32, #tpu.memory_space<hbm>> -> memref<64x128xf32, #tpu.memory_space<hbm>>
    %dma_wait3A_436 = arith.constant 0 : i32
    %dma_wait3A_437 = tpu.memref_slice %arg7[%add3A_433, %dma_wait3A_436] : memref<204800x128xf32, #tpu.memory_space<hbm>> -> memref<64x128xf32, #tpu.memory_space<hbm>>
    tpu.wait_dma2 semaphore(%arg37 : memref<!tpu.dma_semaphore, #tpu.memory_space<semaphore_mem>>) src(%arg17 : memref<64x128xf32, #tpu.memory_space<vmem>>) dst(%dma_wait3A_437 : memref<64x128xf32, #tpu.memory_space<hbm>>)
    %add3A_438 = arith.constant 6272 : i32
    %add3A_439 = arith.addi %mul3A_2, %add3A_438 : i32
    %dma_wait3A_440 = arith.constant 0 : i32
    %dma_wait3A_441 = tpu.memref_slice %arg7[%add3A_439, %dma_wait3A_440] : memref<204800x128xf32, #tpu.memory_space<hbm>> -> memref<64x128xf32, #tpu.memory_space<hbm>>
    %dma_wait3A_442 = arith.constant 0 : i32
    %dma_wait3A_443 = tpu.memref_slice %arg7[%add3A_439, %dma_wait3A_442] : memref<204800x128xf32, #tpu.memory_space<hbm>> -> memref<64x128xf32, #tpu.memory_space<hbm>>
    tpu.wait_dma2 semaphore(%arg38 : memref<!tpu.dma_semaphore, #tpu.memory_space<semaphore_mem>>) src(%arg18 : memref<64x128xf32, #tpu.memory_space<vmem>>) dst(%dma_wait3A_443 : memref<64x128xf32, #tpu.memory_space<hbm>>)
    %add3A_444 = arith.constant 6336 : i32
    %add3A_445 = arith.addi %mul3A_2, %add3A_444 : i32
    %dma_wait3A_446 = arith.constant 0 : i32
    %dma_wait3A_447 = tpu.memref_slice %arg7[%add3A_445, %dma_wait3A_446] : memref<204800x128xf32, #tpu.memory_space<hbm>> -> memref<64x128xf32, #tpu.memory_space<hbm>>
    %dma_wait3A_448 = arith.constant 0 : i32
    %dma_wait3A_449 = tpu.memref_slice %arg7[%add3A_445, %dma_wait3A_448] : memref<204800x128xf32, #tpu.memory_space<hbm>> -> memref<64x128xf32, #tpu.memory_space<hbm>>
    tpu.wait_dma2 semaphore(%arg39 : memref<!tpu.dma_semaphore, #tpu.memory_space<semaphore_mem>>) src(%arg19 : memref<64x128xf32, #tpu.memory_space<vmem>>) dst(%dma_wait3A_449 : memref<64x128xf32, #tpu.memory_space<hbm>>)
    return
  }
}

</mosaic_0001>

<sc_bundles>
// kernel: kernel.3.cloned.1.call-start
scs
__scs_entry_jumppad:
0x0: {  	(pc) =	sbr.rel $0x88, $3  }
0x1: {  	(tag) =	ssettag $0x0;
	lr =	simm.s32 $0x1  }
0x2: {  	[smem:$0x3F9D] =	sst lr;
	_ =	strace $0xD0000000  }
0x3: {  	_ = 	snop  }
0x4: {  	_ = 	snop  }
0x5: {  	_ = 	snop  }
0x6: {  	_ = 	snop  }
0x7: {  	_ = 	snop  }
__scs_overlays_trampoline_lowered:
0x8: {  	[smem:$0x3FAC] =	sst s0  }
0x9: {  	[smem:$0x3FAD] =	sst s1  }
0xa: {  	[smem:$0x3FAE] =	sst s2  }
0xb: {  	[smem:$0x3FAF] =	sst s3  }
0xc: {  	[smem:$0x3FB0] =	sst s4  }
0xd: {  	[smem:$0x3FB1] =	sst s5  }
0xe: {  	[smem:$0x3FB2] =	sst s6  }
0xf: {  	[smem:$0x3FB3] =	sst s7  }
0x10: {  	[smem:$0x3FB4] =	sst s8  }
0x11: {  	[smem:$0x3FB5] =	sst s9;
	s0 =	simm.s32 @!p0 $0x0  }
0x12: {  	s1 =	sld [smem:$0x3F9B];
	s0 =	simm.s32 @p0 $0x1  }
0x13: {  	[smem:$0x3FB6] =	sst s0;
	s0 =	simm.s32 @!p1 $0x0  }
0x14: {  	s2 =	sld [smem:$0x3F9A];
	s0 =	simm.s32 @p1 $0x1  }
0x15: {  	[smem:$0x3FB7] =	sst s0;
	s0 =	simm.s32 @!p2 $0x0  }
0x16: {  	s3 =	sld [smem:$0x3FDB];
	s0 =	simm.s32 @p2 $0x1  }
0x17: {  	s4 =	simm.s32 $0x1BF5;
	[smem:$0x3FB9] =	sst s0  }
0x18: {  	s0 =	sld [smem:$0x3F9C];
	_ =	swait.ge [sflag:s4], $0x0  }
0x19: {  	s7 =	sld [smem:$0x3F9D]  }
0x1a: {  	s8 =	sadd.s32 $0xFFFFE003, lr  }
0x1b: {  	s9 =	sadd.s32 $0xFFFFFEF7, lr;
	s5 =	simm.s32 $0xFFFFFFFF;
	p2 =	slt.u32 s8, $0xFFFFF086  }
0x1c: {  	p1 =	slt.u32 s9, $0xF7A;
	s5 =	simm.s32 @!p2 $0x0  }
0x1d: {  	s5 =	simm.s32 @p1 $0x1;
	p0 =	seq.s32 s7, s2  }
0x1e: {  	s7 =	smul.u32 @!p0 $0xF7A, s2;
	p2 =	seq.s32 @!p0 s5, $0x0  }
0x1f: {  	s9 =	smul.u32 $0xF7A, s1;
	s8 =	simm.s32 @!p0 $0x1BF5;
	p2 =	por !p2, p0  }
0x20: {  	[sflag:s8] =	ssyncset.s32 @!p0 $0xFFFFF086;
	s6 =	sadd.s32 @!p0 s3, s7;
	s7 =	simm.s32 @!p0 $0x108  }
0x21: {  	s3 =	sadd.s32 s3, s9;
	s6 =	sadd.s32 @!p0 $0x88, s6;
	s7 =	simm.s32 @p2 $0x1082  }
0x22: {  	[simem:s7], [sflag:s8] =	dma.local @!p0 [hbm:s6], $0xF7A  }
0x23: {  	s9 =	sor.u32 $0xD0000000, s2;
	s6 =	simm.s32 $0x108;
	_ =	swait.ge @!p0 [sflag:s8], $0x0  }
0x24: {  	s3 =	sadd.s32 $0x88, s3;
	s6 =	simm.s32 @!p1 $0x1082;
	[sflag:s4] =	ssyncset.s32 $0xFFFFF086  }
0x25: {  	[simem:s6], [sflag:s4] =	dma.local [hbm:s3], $0xF7A  }
0x26: {  	[smem:$0x3F9D] =	sst s1;
	(tag) =	ssettag s2;
	_ =	strace s9  }
0x27: {  	s1 =	sld [smem:$0x3FAD]  }
0x28: {  	s2 =	sld [smem:$0x3FAE]  }
0x29: {  	s4 =	sld [smem:$0x3FB0]  }
0x2a: {  	p0 =	seq.s32 s5, $0x0;
	s5 =	sld [smem:$0x3FB1]  }
0x2b: {  	s6 =	sld [smem:$0x3FB2]  }
0x2c: {  	s7 =	sld [smem:$0x3FB3]  }
0x2d: {  	s3 =	simm.s32 $0x108;
	s8 =	sld [smem:$0x3FB4]  }
0x2e: {  	s3 =	simm.s32 @!p0 $0x1082;
	s9 =	sld [smem:$0x3FB5]  }
0x2f: {  	lr =	sadd.s32 s0, s3;
	s0 =	sld [smem:$0x3FAC]  }
0x30: {  	s3 =	sld [smem:$0x3FAF]  }
0x31: {  	[smem:$0x3FB8] =	sst s10  }
0x32: {  	s10 =	sld [smem:$0x3FB6];
	_ =	sdelay $0x3  }
0x33: {  	p0 =	seq.s32 s10, $0x1;
	s10 =	sld [smem:$0x3FB8];
	_ =	sdelay $0x3  }
0x34: {  	[smem:$0x3FB8] =	sst s10  }
0x35: {  	s10 =	sld [smem:$0x3FB7];
	_ =	sdelay $0x3  }
0x36: {  	p1 =	seq.s32 s10, $0x1;
	s10 =	sld [smem:$0x3FB8];
	_ =	sdelay $0x3  }
0x37: {  	[smem:$0x3FB8] =	sst s10  }
0x38: {  	s10 =	sld [smem:$0x3FB9]  }
0x39: {  	_ = 	snop;
	(pc) =	sbr.ind lr, $3  }
0x3a: {  	_ = 	snop  }
0x3b: {  	_ = 	snop  }
0x3c: {  	p2 =	seq.s32 s10, $0x1;
	s10 =	sld [smem:$0x3FB8]  }
0x3d: {  	_ =	shalt  }
0x3e: {  	_ =	shalt  }
0x3f: {  	_ =	shalt  }
0x40: {  	_ =	shalt  }
0x41: {  	_ =	shalt  }
0x42: {  	_ =	shalt  }
0x43: {  	_ =	shalt  }
0x44: {  	_ =	shalt  }
0x45: {  	_ =	shalt  }
0x46: {  	_ =	shalt  }
0x47: {  	_ =	shalt  }
0x48: {  	_ =	shalt  }
0x49: {  	_ =	shalt  }
0x4a: {  	_ =	shalt  }
0x4b: {  	_ =	shalt  }
0x4c: {  	_ =	shalt  }
0x4d: {  	_ =	shalt  }
0x4e: {  	_ =	shalt  }
0x4f: {  	_ =	shalt  }
0x50: {  	_ =	shalt  }
0x51: {  	_ =	shalt  }
0x52: {  	_ =	shalt  }
0x53: {  	_ =	shalt  }
0x54: {  	_ =	shalt  }
0x55: {  	_ =	shalt  }
0x56: {  	_ =	shalt  }
0x57: {  	_ =	shalt  }
0x58: {  	_ =	shalt  }
0x59: {  	_ =	shalt  }
0x5a: {  	_ =	shalt  }
0x5b: {  	_ =	shalt  }
0x5c: {  	_ =	shalt  }
0x5d: {  	_ =	shalt  }
0x5e: {  	_ =	shalt  }
0x5f: {  	_ =	shalt  }
0x60: {  	_ =	shalt  }
0x61: {  	_ =	shalt  }
0x62: {  	_ =	shalt  }
0x63: {  	_ =	shalt  }
0x64: {  	_ =	shalt  }
0x65: {  	_ =	shalt  }
0x66: {  	_ =	shalt  }
0x67: {  	_ =	shalt  }
0x68: {  	_ =	shalt  }
0x69: {  	_ =	shalt  }
0x6a: {  	_ =	shalt  }
0x6b: {  	_ =	shalt  }
0x6c: {  	_ =	shalt  }
0x6d: {  	_ =	shalt  }
0x6e: {  	_ =	shalt  }
0x6f: {  	_ =	shalt  }
0x70: {  	_ =	shalt  }
0x71: {  	_ =	shalt  }
0x72: {  	_ =	shalt  }
0x73: {  	_ =	shalt  }
0x74: {  	_ =	shalt  }
0x75: {  	_ =	shalt  }
0x76: {  	_ =	shalt  }
0x77: {  	_ =	shalt  }
0x78: {  	_ =	shalt  }
0x79: {  	_ =	shalt  }
0x7a: {  	_ =	shalt  }
0x7b: {  	_ =	shalt  }
0x7c: {  	_ =	shalt  }
0x7d: {  	_ =	shalt  }
0x7e: {  	_ =	shalt  }
0x7f: {  	_ =	shalt  }
0x80: {  	_ =	shalt  }
0x81: {  	_ =	shalt  }
0x82: {  	_ =	shalt  }
0x83: {  	_ =	shalt  }
0x84: {  	_ =	shalt  }
0x85: {  	_ =	shalt  }
0x86: {  	_ =	shalt  }
0x87: {  	_ =	shalt  }
.Lfunc_end0:
.L_simem_size_0:
called_computation_lowered:
.L_overlay_start_0:
0x88: {  	s2 =	sld [smem:$0x3FD9]  }
0x89: {  	s3 =	sld [smem:$0x3FFE];
	_ =	sdelay $0x1  }
0x8a: {  	s1 =	srdreg.scid  }
0x8b: {  	s0 =	sand.u32 $0x1, s1  }
0x8c: {  	s14 =	sshll.u32 s0, $0xA;
	s2 =	sadd.s32 s3, s2  }
0x8d: {  	s2 =	sadd.s32 s2, s14  }
0x8e: {  	[smem:$0x3FC4] =	sst s2  }
0x8f: {  	_ = 	snop  }
0x90: {  	s2 =	sld [smem:$0x3FD0];
	_ =	sdelay $0x1  }
0x91: {  	s15 =	sld [smem:$0x3FC7]  }
0x92: {  	s5 =	simm.s32 $0xA;
	s6 =	simm.s32 $0x10;
	s4 =	sld [smem:$0x3FC6]  }
0x93: {  	[smem:s6], [sflag:s5] =	dma.local [hbm:s2], $0x1  }
0x94: {  	_ =	swait.eq [sflag:s5], $0x1  }
0x95: {  	[sflag:s5] =	ssyncset.done $0x0  }
0x96: {  	s16 =	sld [smem:$0x10];
	[sflag:s5] =	ssyncadd.s32 $0xFFFFFFFF  }
0x97: {  	s17 =	sld [smem:$0x11];
	(tm) =	ssettm $0x1  }
0x98: {  	s18 =	sld [smem:$0x3FFB];
	_ =	sdelay $0x3  }
0x99: {  	_ =	strace s18  }
0x9a: {  	s6 =	sld [smem:$0x3FFC];
	_ =	sdelay $0x3  }
0x9b: {  	_ =	strace s6  }
0x9c: {  	s6 =	sld [smem:$0x3FFD];
	_ =	sdelay $0x3  }
0x9d: {  	_ =	strace s6  }
0x9e: {  	_ =	strace $0x8FFFFFFF  }
0x9f: {  	s19 =	sld [smem:$0x3FDB];
	_ =	sdelay $0x1  }
0xa0: {  	s7 =	simm.s32 $_scs_section_size  }
0xa1: {  	s8 =	simm.s32 $_size__tile_overlayer_lowered;
	s9 =	simm.s32 $_tile_overlayer_lowered  }
0xa2: {  	s22 =	simm.s32 $0x1BFF;
	s21 =	sshll.u32 s9, $0x1;
	s6 =	sadd.s32 s7, s19  }
0xa3: {  	s10 =	simm.s32 $0x0;
	s20 =	sshll.u32 s8, $0x1;
	s8 =	sadd.s32 s21, s6  }
0xa4: {  	[timem:s10], [sflag:s22] =	dma.local [hbm:s8], s20  }
0xa5: {  	_ =	swait.ge [sflag:s22], s20  }
0xa6: {  	s7 =	ssub.s32 $0x0, s20;
	[sflag:s22] =	ssyncset.done $0x0  }
0xa7: {  	[sflag:s22] =	ssyncadd.s32 s7;
	_ =	sdelay $0x1  }
0xa8: {  	s23 =	simm.s32 $0x1B8B  }
0xa9: {  	_ =	swait.ge [sflag:s23], $0x1  }
0xaa: {  	[sflag:s23] =	ssyncset.done $0x0  }
0xab: {  	s25 =	simm.s32 $0x1B8E;
	s24 =	sld [smem:$0x3FFE];
	[sflag:s23] =	ssyncadd.s32 $0xFFFFFFFF  }
0xac: {  	s26 =	simm.s32 $execute0_lowered;
	[smem:$0x3FD2] =	sst s25  }
0xad: {  	s8 =	sshll.u32 s26, $0x1;
	_ =	strace $0x80000046;
	[dreg:$0x1] =	wrdreg $0xFFFFFFFF  }
0xae: {  	s28 =	simm.s32 $_size_execute0_lowered;
	s6 =	sadd.s32 s6, s8;
	[dreg:$0x0] =	wrdreg $0x0  }
0xaf: {  	s8 =	sshll.u32 s28, $0x1;
	[dreg:$0x2] =	wrdreg s6  }
0xb0: {  	[dreg:$0x3] =	wrdreg s8  }
0xb1: {  	[dreg:$0x4] =	wrdreg $0xC0  }
0xb2: {  	_ =	task [dreg:s10], $0x5FFFF  }
0xb3: {  	[dreg:$0x1] =	wrdreg $0xFFFFFFFF  }
0xb4: {  	[dreg:$0x0] =	wrdreg $0x60  }
0xb5: {  	[dreg:$0x2] =	wrdreg s24  }
0xb6: {  	[dreg:$0x3] =	wrdreg s15  }
0xb7: {  	[dreg:$0x4] =	wrdreg s4  }
0xb8: {  	[dreg:$0x5] =	wrdreg s16  }
0xb9: {  	[dreg:$0x6] =	wrdreg s17  }
0xba: {  	[dreg:$0x7] =	wrdreg $0x9  }
0xbb: {  	_ =	task.clear_ibuf [dreg:s10], $0x8FFFF;
	_ =	strace $0x90000046  }
0xbc: {  	s29 =	simm.s32 $0x9;
	_ =	strace $0x80000048  }
0xbd: {  	_ =	swait.ge [sflag:s29], $0x1  }
0xbe: {  	[sflag:s29] =	ssyncadd.s32 $0xFFFFFFFF  }
0xbf: {  	_ =	strace $0x90000048  }
0xc0: {  	_ =	sfence  }
0xc1: {  	s30 =	sld [smem:$0x0];
	_ =	sdelay $0x2  }
0xc2: {  	s31 =	sshll.u32 s1, $0xD;
	s1 =	sshrl.u32 s1, $0x2  }
0xc3: {  	s3 =	sand.u32 $0x4000, s31;
	s1 =	sadd.s32 s1, s30  }
0xc4: {  	s0 =	sor.u32 s3, s0;
	s1 =	sshll.u32 s1, $0x11  }
0xc5: {  	s0 =	sor.u32 s1, s0  }
0xc6: {  	s0 =	sadd.s32 $0x8F2B, s0  }
0xc7: {  	[sflag:s0] =	ssyncadd.remote.s32 $0x1  }
0xc8: {  	_ =	sfence.sel $0xFFFF  }
0xc9: {  	[dreg:$0x0] =	wrdreg $0xFFFFFFFF;
	(pc) =	sbr.abs _section_cstart, $3  }
0xca: {  	[dreg:$0x1] =	wrdreg $0xFFFFFFFF  }
0xcb: {  	_ =	task.clear_ibuf [dreg:s10], $0x2FFFF;
	_ =	strace $0x9FFFFFFF  }
0xcc: {  	(tm) =	ssettm $0x7FFFFFFF  }
0xcd: {  	_ =	shalt  }
tec
execute0_lowered:
.L_overlay_start_1:
0x0: {  	(tag) =	ssettag $0x1  }
0x1: {  	s0 =	srdreg.scid;
	s16 =	stileid.u32  }
0x2: {  	s0 =	sand.u32 $0x1, s0;
	s1 =	sshll.u32 s16, $0x1  }
0x3: {  	s4 =	sor.u32 s0, s1  }
0x4: {  	s2 =	rddreg [dreg:$0x0];
	s6 =	smul.u32 $0x1900, s4  }
0x5: {  	s3 =	rddreg [dreg:$0x3];
	s4 =	smul.u32 $0xC8000, s4  }
0x6: {  	s5 =	rddreg [dreg:$0x4];
	s1 =	simm.s32 $0x0;
	s7 =	ssub.s32 $0x2, s0  }
0x7: {  	s8 =	sshrl.u32 s7, $0x1;
	s6 =	sshrl.u32 s6, $0x3;
	s4 =	sshrl.u32 s4, $0x3  }
0x8: {  	s2 =	sadd.s32 s6, s2;
	s6 =	ssub.s32 s7, s8;
	s8 =	sadd.s32 $0x16800, s4  }
0x9: {  	[smem:$0x7FF] =	sst s1;
	s18 =	sadd.s32 $0x16C00, s4;
	s10 =	sadd.s32 s3, s8  }
0xa: {  	s9 =	sadd.s32 $0x17000, s4;
	s19 =	sadd.s32 s3, s18;
	[dreg:$0x6] =	wrdreg s10  }
0xb: {  	s21 =	sadd.s32 $0x17400, s4;
	s20 =	sadd.s32 s3, s9;
	[dreg:$0x7] =	wrdreg s19  }
0xc: {  	s11 =	sadd.s32 $0x17800, s4;
	s13 =	sadd.s32 s3, s21;
	[dreg:$0x8] =	wrdreg s20  }
0xd: {  	s12 =	sadd.s32 $0x17C00, s4;
	s22 =	sadd.s32 s3, s11;
	[dreg:$0x9] =	wrdreg s13  }
0xe: {  	s24 =	sadd.s32 $0x18000, s4;
	s23 =	sadd.s32 s3, s12;
	[dreg:$0xa] =	wrdreg s22  }
0xf: {  	s14 =	sadd.s32 $0x18400, s4;
	s17 =	sadd.s32 s3, s24;
	[dreg:$0xb] =	wrdreg s23  }
0x10: {  	s15 =	sadd.s32 $0x18800, s4;
	s25 =	sadd.s32 s3, s14;
	[dreg:$0xc] =	wrdreg s17  }
0x11: {  	s26 =	sadd.s32 s3, s15;
	[dreg:$0xd] =	wrdreg s25  }
0x12: {  	s7 =	sadd.s32 s5, s8;
	[dreg:$0xe] =	wrdreg s26  }
0x13: {  	s8 =	sadd.s32 s5, s18;
	[dreg:$0xf] =	wrdreg s7  }
0x14: {  	s9 =	sadd.s32 s5, s9;
	[dreg:$0x10] =	wrdreg s8  }
0x15: {  	s11 =	sadd.s32 s5, s11;
	[dreg:$0x11] =	wrdreg s9  }
0x16: {  	s12 =	sadd.s32 s5, s12;
	[dreg:$0x13] =	wrdreg s11  }
0x17: {  	s28 =	simm.s32 $0xE;
	s18 =	sadd.s32 s5, s15;
	[dreg:$0x14] =	wrdreg s12  }
0x18: {  	s31 =	simm.s32 $0xF;
	s29 =	simm.s32 $0x10;
	[dreg:$0x17] =	wrdreg s18  }
0x19: {  	s30 =	simm.s32 $0x11;
	s0 =	smul.u32 $0x19000, s0;
	s23 =	rddreg [dreg:$0x1]  }
0x1a: {  	s10 =	sadd.s32 s5, s21;
	s13 =	sadd.s32 s5, s24;
	s24 =	rddreg [dreg:$0x2]  }
0x1b: {  	s4 =	sadd.s32 $0x18C00, s4;
	s17 =	sadd.s32 s5, s14;
	[dreg:$0x12] =	wrdreg s10  }
0x1c: {  	s19 =	sadd.s32 s3, s4;
	s20 =	smul.u32 $0x32000, s16;
	[dreg:$0x15] =	wrdreg s13  }
0x1d: {  	s4 =	sadd.s32 s5, s4;
	s22 =	sadd.s32 $0x800, s2;
	[dreg:$0x16] =	wrdreg s17  }
0x1e: {  	s2 =	sadd.s32 $0x6C00, s2;
	s25 =	smax.u32 s6, $0x1;
	[dreg:$0x18] =	wrdreg s19  }
0x1f: {  	s6 =	simm.s32 $0x0;
	[dreg:$0x19] =	wrdreg s4;
	s19 =	simm.s32 $0x8  }
0x20: {  	s4 =	simm.s32 $0x14;
	_ =	strace $0x80000047;
	[dreg:$0x1a] =	wrdreg s22  }
0x21: {  	s3 =	sadd.s32 s20, s3;
	s21 =	sadd.s32 s20, s5;
	[dreg:$0x1b] =	wrdreg s2  }
0x22: {  	[dreg:$0x1c] =	wrdreg s25;
	s20 =	simm.s32 $0x9;
	s22 =	simm.s32 $0xB  }
0x23: {  	s25 =	simm.s32 $0xC;
	s2 =	simm.s32 $0x12;
	s3 =	sadd.s32 s0, s3  }
0x24: {  	s0 =	sadd.s32 s0, s21;
	s21 =	simm.s32 $0xA;
	s26 =	sadd.s32 $0x2400, s3  }
0x25: {  	s0 =	sadd.s32 $0x2400, s0;
	s3 =	simm.s32 $0x13;
	[dreg:$0x1d] =	wrdreg s26  }
0x26: {  	[dreg:$0x1e] =	wrdreg s0;
	s0 =	simm.s32 $0x40;
	s26 =	simm.s32 $0xD  }
.LBB2_1:
0x27: {  	[dreg:$0x1f] =	wrdreg s6  }
0x28: {  	s5 =	rddreg [dreg:$0x1a];
	s9 =	simm.s32 $0x15  }
0x29: {  	[tilespmem:s1], [sflag:$0x15] =	stream.linear.gather [hbm4b:s5+s1], $0x1900, $0x38;
	[tilespmem:$0x17200] =	vst v63  }
0x2a: {  	_ =	swait.ge [sflag:s9], $0x1900  }
0x2b: {  	[sflag:s9] =	ssyncset.done $0x0  }
0x2c: {  	s7 =	simm.s32 $0x1900;
	s10 =	rddreg [dreg:$0x1b];
	[sflag:s9] =	ssyncadd.s32 $0xFFFFE700  }
0x2d: {  	[tilespmem:s7], [sflag:$0x15] =	stream.linear.gather [hbm4b:s10+s1], $0x1900, $0x38;
	[tilespmem:$0x17200] =	vst v63  }
0x2e: {  	_ =	swait.ge [sflag:s9], $0x1900  }
0x2f: {  	[sflag:s9] =	ssyncset.done $0x0  }
0x30: {  	s7 =	simm.s32 $0x3200;
	[sflag:s9] =	ssyncadd.s32 $0xFFFFE700  }
0x31: {  	[tilespmem:s7], [sflag:$0x1] =	stream.indirect.gather [hbm4b:s23+s0], $0x80, s1, s0, $0xb8;
	[tilespmem:$0x17200] =	vst v63  }
0x32: {  	s8 =	simm.s32 $0x5200  }
0x33: {  	[tilespmem:s8], [sflag:$0x2] =	stream.indirect.gather [hbm4b:s23+s0], $0x80, s0, s0, $0xb8;
	[tilespmem:$0x17200] =	vst v63  }
0x34: {  	s11 =	simm.s32 $0x80;
	s9 =	simm.s32 $0x7200  }
0x35: {  	[tilespmem:s9], [sflag:$0x3] =	stream.indirect.gather [hbm4b:s23+s0], $0x80, s11, s0, $0xb8;
	[tilespmem:$0x17200] =	vst v63  }
0x36: {  	s12 =	simm.s32 $0xC0;
	s10 =	simm.s32 $0x9200  }
0x37: {  	[tilespmem:s10], [sflag:$0x4] =	stream.indirect.gather [hbm4b:s23+s0], $0x80, s12, s0, $0xb8;
	[tilespmem:$0x17200] =	vst v63  }
0x38: {  	s13 =	simm.s32 $0x100;
	s11 =	simm.s32 $0xB200  }
0x39: {  	[tilespmem:s11], [sflag:$0x5] =	stream.indirect.gather [hbm4b:s23+s0], $0x80, s13, s0, $0xb8;
	[tilespmem:$0x17200] =	vst v63  }
0x3a: {  	s14 =	simm.s32 $0x140;
	s12 =	simm.s32 $0xD200  }
0x3b: {  	[tilespmem:s12], [sflag:$0x6] =	stream.indirect.gather [hbm4b:s23+s0], $0x80, s14, s0, $0xb8;
	[tilespmem:$0x17200] =	vst v63  }
0x3c: {  	s15 =	simm.s32 $0x180;
	s13 =	simm.s32 $0xF200  }
0x3d: {  	[tilespmem:s13], [sflag:$0x7] =	stream.indirect.gather [hbm4b:s23+s0], $0x80, s15, s0, $0xb8;
	[tilespmem:$0x17200] =	vst v63  }
0x3e: {  	s16 =	simm.s32 $0x1C0;
	s14 =	simm.s32 $0x11200  }
0x3f: {  	[tilespmem:s14], [sflag:$0x8] =	stream.indirect.gather [hbm4b:s23+s0], $0x80, s16, s0, $0xb8;
	[tilespmem:$0x17200] =	vst v63  }
0x40: {  	s17 =	simm.s32 $0x200;
	s15 =	simm.s32 $0x13200  }
0x41: {  	[tilespmem:s15], [sflag:$0x9] =	stream.indirect.gather [hbm4b:s23+s0], $0x80, s17, s0, $0xb8;
	[tilespmem:$0x17200] =	vst v63  }
0x42: {  	s18 =	simm.s32 $0x240;
	s6 =	simm.s32 $0x1;
	s16 =	simm.s32 $0x15200  }
0x43: {  	[tilespmem:s16], [sflag:$0xA] =	stream.indirect.gather [hbm4b:s23+s0], $0x80, s18, s0, $0xb8;
	[tilespmem:$0x17200] =	vst v63  }
0x44: {  	_ =	swait.ge [sflag:s6], $0x2000  }
0x45: {  	[sflag:s6] =	ssyncset.done $0x0  }
0x46: {  	[sflag:s6] =	ssyncadd.s32 $0xFFFFE000;
	s6 =	rddreg [dreg:$0x1d]  }
0x47: {  	s18 =	simm.s32 $0x2;
	s17 =	sadd.s32 $0xFFFFDC00, s6  }
0x48: {  	[hbm4b:s17+s1] =	stream.linear.scatter [tilespmem:s7], [sflag:$0xB], $0x2000, $0x38;
	[tilespmem:$0x17200] =	vst v63  }
0x49: {  	_ =	swait.ge [sflag:s18], $0x2000  }
0x4a: {  	[sflag:s18] =	ssyncset.done $0x0  }
0x4b: {  	s17 =	sadd.s32 $0xFFFFE000, s6;
	[sflag:s18] =	ssyncadd.s32 $0xFFFFE000;
	s18 =	simm.s32 $0x3  }
0x4c: {  	[hbm4b:s17+s1] =	stream.linear.scatter [tilespmem:s8], [sflag:$0xC], $0x2000, $0x38;
	[tilespmem:$0x17200] =	vst v63  }
0x4d: {  	_ =	swait.ge [sflag:s18], $0x2000  }
0x4e: {  	[sflag:s18] =	ssyncset.done $0x0  }
0x4f: {  	s17 =	sadd.s32 $0xFFFFE400, s6;
	[sflag:s18] =	ssyncadd.s32 $0xFFFFE000;
	s18 =	simm.s32 $0x4  }
0x50: {  	[hbm4b:s17+s1] =	stream.linear.scatter [tilespmem:s9], [sflag:$0xD], $0x2000, $0x38;
	[tilespmem:$0x17200] =	vst v63  }
0x51: {  	_ =	swait.ge [sflag:s18], $0x2000  }
0x52: {  	[sflag:s18] =	ssyncset.done $0x0  }
0x53: {  	s17 =	sadd.s32 $0xFFFFE800, s6;
	[sflag:s18] =	ssyncadd.s32 $0xFFFFE000;
	s18 =	simm.s32 $0x5  }
0x54: {  	[hbm4b:s17+s1] =	stream.linear.scatter [tilespmem:s10], [sflag:$0xE], $0x2000, $0x38;
	[tilespmem:$0x17200] =	vst v63  }
0x55: {  	_ =	swait.ge [sflag:s18], $0x2000  }
0x56: {  	[sflag:s18] =	ssyncset.done $0x0  }
0x57: {  	s17 =	sadd.s32 $0xFFFFEC00, s6;
	[sflag:s18] =	ssyncadd.s32 $0xFFFFE000;
	s18 =	simm.s32 $0x6  }
0x58: {  	[hbm4b:s17+s1] =	stream.linear.scatter [tilespmem:s11], [sflag:$0xF], $0x2000, $0x38;
	[tilespmem:$0x17200] =	vst v63  }
0x59: {  	_ =	swait.ge [sflag:s18], $0x2000  }
0x5a: {  	[sflag:s18] =	ssyncset.done $0x0  }
0x5b: {  	s17 =	sadd.s32 $0xFFFFF000, s6;
	[sflag:s18] =	ssyncadd.s32 $0xFFFFE000;
	s18 =	simm.s32 $0x7  }
0x5c: {  	[hbm4b:s17+s1] =	stream.linear.scatter [tilespmem:s12], [sflag:$0x10], $0x2000, $0x38;
	[tilespmem:$0x17200] =	vst v63  }
0x5d: {  	_ =	swait.ge [sflag:s18], $0x2000  }
0x5e: {  	[sflag:s18] =	ssyncset.done $0x0  }
0x5f: {  	s17 =	sadd.s32 $0xFFFFF400, s6;
	[sflag:s18] =	ssyncadd.s32 $0xFFFFE000  }
0x60: {  	[hbm4b:s17+s1] =	stream.linear.scatter [tilespmem:s13], [sflag:$0x11], $0x2000, $0x38;
	[tilespmem:$0x17200] =	vst v63  }
0x61: {  	_ =	swait.ge [sflag:s19], $0x2000  }
0x62: {  	[sflag:s19] =	ssyncset.done $0x0  }
0x63: {  	s18 =	sadd.s32 $0xFFFFF800, s6;
	[sflag:s19] =	ssyncadd.s32 $0xFFFFE000  }
0x64: {  	[hbm4b:s18+s1] =	stream.linear.scatter [tilespmem:s14], [sflag:$0x12], $0x2000, $0x38;
	[tilespmem:$0x17200] =	vst v63  }
0x65: {  	_ =	swait.ge [sflag:s20], $0x2000  }
0x66: {  	[sflag:s20] =	ssyncset.done $0x0  }
0x67: {  	s17 =	sadd.s32 $0xFFFFFC00, s6;
	[sflag:s20] =	ssyncadd.s32 $0xFFFFE000  }
0x68: {  	[hbm4b:s17+s1] =	stream.linear.scatter [tilespmem:s15], [sflag:$0x13], $0x2000, $0x38;
	[tilespmem:$0x17200] =	vst v63  }
0x69: {  	_ =	swait.ge [sflag:s21], $0x2000  }
0x6a: {  	[sflag:s21] =	ssyncset.done $0x0  }
0x6b: {  	[sflag:s21] =	ssyncadd.s32 $0xFFFFE000  }
0x6c: {  	[hbm4b:s6+s1] =	stream.linear.scatter [tilespmem:s16], [sflag:$0x14], $0x2000, $0x38;
	[tilespmem:$0x17200] =	vst v63  }
0x6d: {  	_ =	swait.ge [sflag:s22], $0x2000  }
0x6e: {  	[sflag:s22] =	ssyncset.done $0x0  }
0x6f: {  	s18 =	simm.s32 $0x280;
	[sflag:s22] =	ssyncadd.s32 $0xFFFFE000  }
0x70: {  	[tilespmem:s7], [sflag:$0x1] =	stream.indirect.gather [hbm4b:s23+s0], $0x80, s18, s0, $0xb8;
	[tilespmem:$0x17200] =	vst v63  }
0x71: {  	_ =	swait.ge [sflag:s25], $0x2000  }
0x72: {  	[sflag:s25] =	ssyncset.done $0x0  }
0x73: {  	s7 =	simm.s32 $0x2C0;
	[sflag:s25] =	ssyncadd.s32 $0xFFFFE000  }
0x74: {  	[tilespmem:s8], [sflag:$0x2] =	stream.indirect.gather [hbm4b:s23+s0], $0x80, s7, s0, $0xb8;
	[tilespmem:$0x17200] =	vst v63  }
0x75: {  	_ =	swait.ge [sflag:s26], $0x2000  }
0x76: {  	[sflag:s26] =	ssyncset.done $0x0  }
0x77: {  	s8 =	simm.s32 $0x300;
	[sflag:s26] =	ssyncadd.s32 $0xFFFFE000  }
0x78: {  	[tilespmem:s9], [sflag:$0x3] =	stream.indirect.gather [hbm4b:s23+s0], $0x80, s8, s0, $0xb8;
	[tilespmem:$0x17200] =	vst v63  }
0x79: {  	_ =	swait.ge [sflag:s28], $0x2000  }
0x7a: {  	[sflag:s28] =	ssyncset.done $0x0  }
0x7b: {  	s9 =	simm.s32 $0x340;
	[sflag:s28] =	ssyncadd.s32 $0xFFFFE000  }
0x7c: {  	[tilespmem:s10], [sflag:$0x4] =	stream.indirect.gather [hbm4b:s23+s0], $0x80, s9, s0, $0xb8;
	[tilespmem:$0x17200] =	vst v63  }
0x7d: {  	_ =	swait.ge [sflag:s31], $0x2000  }
0x7e: {  	[sflag:s31] =	ssyncset.done $0x0  }
0x7f: {  	s10 =	simm.s32 $0x380;
	[sflag:s31] =	ssyncadd.s32 $0xFFFFE000  }
0x80: {  	[tilespmem:s11], [sflag:$0x5] =	stream.indirect.gather [hbm4b:s23+s0], $0x80, s10, s0, $0xb8;
	[tilespmem:$0x17200] =	vst v63  }
0x81: {  	_ =	swait.ge [sflag:s29], $0x2000  }
0x82: {  	[sflag:s29] =	ssyncset.done $0x0  }
0x83: {  	s11 =	simm.s32 $0x3C0;
	[sflag:s29] =	ssyncadd.s32 $0xFFFFE000  }
0x84: {  	[tilespmem:s12], [sflag:$0x6] =	stream.indirect.gather [hbm4b:s23+s0], $0x80, s11, s0, $0xb8;
	[tilespmem:$0x17200] =	vst v63  }
0x85: {  	_ =	swait.ge [sflag:s30], $0x2000  }
0x86: {  	[sflag:s30] =	ssyncset.done $0x0  }
0x87: {  	s16 =	simm.s32 $0x400;
	[sflag:s30] =	ssyncadd.s32 $0xFFFFE000  }
0x88: {  	[tilespmem:s13], [sflag:$0x7] =	stream.indirect.gather [hbm4b:s23+s0], $0x80, s16, s0, $0xb8;
	[tilespmem:$0x17200] =	vst v63  }
0x89: {  	_ =	swait.ge [sflag:s2], $0x2000  }
0x8a: {  	[sflag:s2] =	ssyncset.done $0x0  }
0x8b: {  	s17 =	simm.s32 $0x440;
	[sflag:s2] =	ssyncadd.s32 $0xFFFFE000  }
0x8c: {  	[tilespmem:s14], [sflag:$0x8] =	stream.indirect.gather [hbm4b:s23+s0], $0x80, s17, s0, $0xb8;
	[tilespmem:$0x17200] =	vst v63  }
0x8d: {  	_ =	swait.ge [sflag:s3], $0x2000  }
0x8e: {  	[sflag:s3] =	ssyncset.done $0x0  }
0x8f: {  	s18 =	simm.s32 $0x480;
	[sflag:s3] =	ssyncadd.s32 $0xFFFFE000  }
0x90: {  	[tilespmem:s15], [sflag:$0x9] =	stream.indirect.gather [hbm4b:s23+s0], $0x80, s18, s0, $0xb8;
	[tilespmem:$0x17200] =	vst v63  }
0x91: {  	_ =	swait.ge [sflag:s4], $0x2000  }
0x92: {  	s5 =	simm.s32 $0xA00;
	[sflag:s4] =	ssyncset.done $0x0  }
0x93: {  	s6 =	sadd.s32 $0x2800, s6;
	s7 =	simm.s32 $0x4C0;
	[sflag:s4] =	ssyncadd.s32 $0xFFFFE000  }
.LBB2_2:
0x94: {  	s18 =	simm.s32 $0x15200  }
0x95: {  	[tilespmem:s18], [sflag:$0xA] =	stream.indirect.gather [hbm4b:s23+s0], $0x80, s7, s0, $0xb8;
	[tilespmem:$0x17200] =	vst v63  }
0x96: {  	s8 =	simm.s32 $0x1;
	s7 =	smov.u32 s5  }
0x97: {  	p0 =	sne.s32 s5, $0x5000;
	s5 =	sadd.s32 $0xA00, s5;
	_ =	swait.ge [sflag:s8], $0x2000  }
0x98: {  	[sflag:s8] =	ssyncset.done $0x0  }
0x99: {  	s9 =	simm.s32 $0x3200;
	[sflag:s8] =	ssyncadd.s32 $0xFFFFE000;
	s8 =	sadd.s32 $0xFFFFDC00, s6  }
0x9a: {  	[hbm4b:s8+s1] =	stream.linear.scatter [tilespmem:s9], [sflag:$0xB], $0x2000, $0x38;
	[tilespmem:$0x17200] =	vst v63  }
0x9b: {  	s8 =	simm.s32 $0x2  }
0x9c: {  	_ =	swait.ge [sflag:s8], $0x2000  }
0x9d: {  	[sflag:s8] =	ssyncset.done $0x0  }
0x9e: {  	s10 =	simm.s32 $0x5200;
	[sflag:s8] =	ssyncadd.s32 $0xFFFFE000;
	s8 =	sadd.s32 $0xFFFFE000, s6  }
0x9f: {  	[hbm4b:s8+s1] =	stream.linear.scatter [tilespmem:s10], [sflag:$0xC], $0x2000, $0x38;
	[tilespmem:$0x17200] =	vst v63  }
0xa0: {  	s8 =	simm.s32 $0x3  }
0xa1: {  	_ =	swait.ge [sflag:s8], $0x2000  }
0xa2: {  	[sflag:s8] =	ssyncset.done $0x0  }
0xa3: {  	s11 =	simm.s32 $0x7200;
	[sflag:s8] =	ssyncadd.s32 $0xFFFFE000;
	s8 =	sadd.s32 $0xFFFFE400, s6  }
0xa4: {  	[hbm4b:s8+s1] =	stream.linear.scatter [tilespmem:s11], [sflag:$0xD], $0x2000, $0x38;
	[tilespmem:$0x17200] =	vst v63  }
0xa5: {  	s8 =	simm.s32 $0x4  }
0xa6: {  	_ =	swait.ge [sflag:s8], $0x2000  }
0xa7: {  	[sflag:s8] =	ssyncset.done $0x0  }
0xa8: {  	s12 =	simm.s32 $0x9200;
	[sflag:s8] =	ssyncadd.s32 $0xFFFFE000;
	s8 =	sadd.s32 $0xFFFFE800, s6  }
0xa9: {  	[hbm4b:s8+s1] =	stream.linear.scatter [tilespmem:s12], [sflag:$0xE], $0x2000, $0x38;
	[tilespmem:$0x17200] =	vst v63  }
0xaa: {  	s8 =	simm.s32 $0x5  }
0xab: {  	_ =	swait.ge [sflag:s8], $0x2000  }
0xac: {  	[sflag:s8] =	ssyncset.done $0x0  }
0xad: {  	s13 =	simm.s32 $0xB200;
	[sflag:s8] =	ssyncadd.s32 $0xFFFFE000;
	s8 =	sadd.s32 $0xFFFFEC00, s6  }
0xae: {  	[hbm4b:s8+s1] =	stream.linear.scatter [tilespmem:s13], [sflag:$0xF], $0x2000, $0x38;
	[tilespmem:$0x17200] =	vst v63  }
0xaf: {  	s8 =	simm.s32 $0x6  }
0xb0: {  	_ =	swait.ge [sflag:s8], $0x2000  }
0xb1: {  	[sflag:s8] =	ssyncset.done $0x0  }
0xb2: {  	s14 =	simm.s32 $0xD200;
	[sflag:s8] =	ssyncadd.s32 $0xFFFFE000;
	s8 =	sadd.s32 $0xFFFFF000, s6  }
0xb3: {  	[hbm4b:s8+s1] =	stream.linear.scatter [tilespmem:s14], [sflag:$0x10], $0x2000, $0x38;
	[tilespmem:$0x17200] =	vst v63  }
0xb4: {  	s8 =	simm.s32 $0x7  }
0xb5: {  	_ =	swait.ge [sflag:s8], $0x2000  }
0xb6: {  	[sflag:s8] =	ssyncset.done $0x0  }
0xb7: {  	s15 =	simm.s32 $0xF200;
	[sflag:s8] =	ssyncadd.s32 $0xFFFFE000;
	s8 =	sadd.s32 $0xFFFFF400, s6  }
0xb8: {  	[hbm4b:s8+s1] =	stream.linear.scatter [tilespmem:s15], [sflag:$0x11], $0x2000, $0x38;
	[tilespmem:$0x17200] =	vst v63  }
0xb9: {  	_ =	swait.ge [sflag:s19], $0x2000  }
0xba: {  	[sflag:s19] =	ssyncset.done $0x0  }
0xbb: {  	s16 =	simm.s32 $0x11200;
	s8 =	sadd.s32 $0xFFFFF800, s6;
	[sflag:s19] =	ssyncadd.s32 $0xFFFFE000  }
0xbc: {  	[hbm4b:s8+s1] =	stream.linear.scatter [tilespmem:s16], [sflag:$0x12], $0x2000, $0x38;
	[tilespmem:$0x17200] =	vst v63  }
0xbd: {  	_ =	swait.ge [sflag:s20], $0x2000  }
0xbe: {  	[sflag:s20] =	ssyncset.done $0x0  }
0xbf: {  	s17 =	simm.s32 $0x13200;
	s8 =	sadd.s32 $0xFFFFFC00, s6;
	[sflag:s20] =	ssyncadd.s32 $0xFFFFE000  }
0xc0: {  	[hbm4b:s8+s1] =	stream.linear.scatter [tilespmem:s17], [sflag:$0x13], $0x2000, $0x38;
	[tilespmem:$0x17200] =	vst v63  }
0xc1: {  	_ =	swait.ge [sflag:s21], $0x2000  }
0xc2: {  	[sflag:s21] =	ssyncset.done $0x0  }
0xc3: {  	[sflag:s21] =	ssyncadd.s32 $0xFFFFE000  }
0xc4: {  	[hbm4b:s6+s1] =	stream.linear.scatter [tilespmem:s18], [sflag:$0x14], $0x2000, $0x38;
	[tilespmem:$0x17200] =	vst v63  }
0xc5: {  	_ =	swait.ge [sflag:s22], $0x2000  }
0xc6: {  	s7 =	sshra.s32 s7, $0x2;
	[sflag:s22] =	ssyncset.done $0x0  }
0xc7: {  	s8 =	sadd.s32 $0x280, s7;
	[sflag:s22] =	ssyncadd.s32 $0xFFFFE000  }
0xc8: {  	[tilespmem:s9], [sflag:$0x1] =	stream.indirect.gather [hbm4b:s23+s0], $0x80, s8, s0, $0xb8;
	[tilespmem:$0x17200] =	vst v63  }
0xc9: {  	_ =	swait.ge [sflag:s25], $0x2000  }
0xca: {  	[sflag:s25] =	ssyncset.done $0x0  }
0xcb: {  	s8 =	sadd.s32 $0x2C0, s7;
	[sflag:s25] =	ssyncadd.s32 $0xFFFFE000  }
0xcc: {  	[tilespmem:s10], [sflag:$0x2] =	stream.indirect.gather [hbm4b:s23+s0], $0x80, s8, s0, $0xb8;
	[tilespmem:$0x17200] =	vst v63  }
0xcd: {  	_ =	swait.ge [sflag:s26], $0x2000  }
0xce: {  	[sflag:s26] =	ssyncset.done $0x0  }
0xcf: {  	s8 =	sadd.s32 $0x300, s7;
	[sflag:s26] =	ssyncadd.s32 $0xFFFFE000  }
0xd0: {  	[tilespmem:s11], [sflag:$0x3] =	stream.indirect.gather [hbm4b:s23+s0], $0x80, s8, s0, $0xb8;
	[tilespmem:$0x17200] =	vst v63  }
0xd1: {  	_ =	swait.ge [sflag:s28], $0x2000  }
0xd2: {  	[sflag:s28] =	ssyncset.done $0x0  }
0xd3: {  	s8 =	sadd.s32 $0x340, s7;
	[sflag:s28] =	ssyncadd.s32 $0xFFFFE000  }
0xd4: {  	[tilespmem:s12], [sflag:$0x4] =	stream.indirect.gather [hbm4b:s23+s0], $0x80, s8, s0, $0xb8;
	[tilespmem:$0x17200] =	vst v63  }
0xd5: {  	_ =	swait.ge [sflag:s31], $0x2000  }
0xd6: {  	[sflag:s31] =	ssyncset.done $0x0  }
0xd7: {  	s8 =	sadd.s32 $0x380, s7;
	[sflag:s31] =	ssyncadd.s32 $0xFFFFE000  }
0xd8: {  	[tilespmem:s13], [sflag:$0x5] =	stream.indirect.gather [hbm4b:s23+s0], $0x80, s8, s0, $0xb8;
	[tilespmem:$0x17200] =	vst v63  }
0xd9: {  	_ =	swait.ge [sflag:s29], $0x2000  }
0xda: {  	[sflag:s29] =	ssyncset.done $0x0  }
0xdb: {  	s8 =	sadd.s32 $0x3C0, s7;
	[sflag:s29] =	ssyncadd.s32 $0xFFFFE000  }
0xdc: {  	[tilespmem:s14], [sflag:$0x6] =	stream.indirect.gather [hbm4b:s23+s0], $0x80, s8, s0, $0xb8;
	[tilespmem:$0x17200] =	vst v63  }
0xdd: {  	_ =	swait.ge [sflag:s30], $0x2000  }
0xde: {  	[sflag:s30] =	ssyncset.done $0x0  }
0xdf: {  	s8 =	sadd.s32 $0x400, s7;
	[sflag:s30] =	ssyncadd.s32 $0xFFFFE000  }
0xe0: {  	[tilespmem:s15], [sflag:$0x7] =	stream.indirect.gather [hbm4b:s23+s0], $0x80, s8, s0, $0xb8;
	[tilespmem:$0x17200] =	vst v63  }
0xe1: {  	_ =	swait.ge [sflag:s2], $0x2000  }
0xe2: {  	[sflag:s2] =	ssyncset.done $0x0  }
0xe3: {  	s8 =	sadd.s32 $0x440, s7;
	[sflag:s2] =	ssyncadd.s32 $0xFFFFE000  }
0xe4: {  	[tilespmem:s16], [sflag:$0x8] =	stream.indirect.gather [hbm4b:s23+s0], $0x80, s8, s0, $0xb8;
	[tilespmem:$0x17200] =	vst v63  }
0xe5: {  	_ =	swait.ge [sflag:s3], $0x2000  }
0xe6: {  	[sflag:s3] =	ssyncset.done $0x0  }
.Ltmp0:
0xe7: {  	s8 =	sadd.s32 $0x480, s7;
	[sflag:s3] =	ssyncadd.s32 $0xFFFFE000;
	(pc) =	sbr.rel @p0 .LBB2_2-.Ltmp0, $4  }
0xe8: {  	[tilespmem:s17], [sflag:$0x9] =	stream.indirect.gather [hbm4b:s23+s0], $0x80, s8, s0, $0xb8;
	[tilespmem:$0x17200] =	vst v63  }
0xe9: {  	_ =	swait.ge [sflag:s4], $0x2000  }
0xea: {  	[sflag:s4] =	ssyncset.done $0x0  }
0xeb: {  	s6 =	sadd.s32 $0x2800, s6;
	s7 =	sadd.s32 $0x4C0, s7;
	[sflag:s4] =	ssyncadd.s32 $0xFFFFE000  }
0xec: {  	s5 =	simm.s32 $0x15200;
	s17 =	simm.s32 $0x1  }
0xed: {  	[tilespmem:s5], [sflag:$0xA] =	stream.indirect.gather [hbm4b:s23+s0], $0x80, s7, s0, $0xb8;
	[tilespmem:$0x17200] =	vst v63  }
0xee: {  	_ =	swait.ge [sflag:s17], $0x2000  }
0xef: {  	s18 =	simm.s32 $0x3200;
	[sflag:s17] =	ssyncset.done $0x0  }
0xf0: {  	s5 =	simm.s32 $0x0;
	s6 =	rddreg [dreg:$0x6];
	[sflag:s17] =	ssyncadd.s32 $0xFFFFE000  }
0xf1: {  	[hbm4b:s6+s5] =	stream.linear.scatter [tilespmem:s18], [sflag:$0xB], $0x2000, $0x38;
	[tilespmem:$0x17200] =	vst v63  }
0xf2: {  	s18 =	simm.s32 $0x2  }
0xf3: {  	_ =	swait.ge [sflag:s18], $0x2000  }
0xf4: {  	s8 =	simm.s32 $0x5200;
	[sflag:s18] =	ssyncset.done $0x0  }
0xf5: {  	s13 =	simm.s32 $0x3;
	s7 =	rddreg [dreg:$0x7];
	[sflag:s18] =	ssyncadd.s32 $0xFFFFE000  }
0xf6: {  	[hbm4b:s7+s5] =	stream.linear.scatter [tilespmem:s8], [sflag:$0xC], $0x2000, $0x38;
	[tilespmem:$0x17200] =	vst v63  }
0xf7: {  	_ =	swait.ge [sflag:s13], $0x2000  }
0xf8: {  	s14 =	simm.s32 $0x4;
	[sflag:s13] =	ssyncset.done $0x0  }
0xf9: {  	s8 =	simm.s32 $0x7200;
	s9 =	rddreg [dreg:$0x8];
	[sflag:s13] =	ssyncadd.s32 $0xFFFFE000  }
0xfa: {  	[hbm4b:s9+s5] =	stream.linear.scatter [tilespmem:s8], [sflag:$0xD], $0x2000, $0x38;
	[tilespmem:$0x17200] =	vst v63  }
0xfb: {  	_ =	swait.ge [sflag:s14], $0x2000  }
0xfc: {  	s16 =	simm.s32 $0x5;
	[sflag:s14] =	ssyncset.done $0x0  }
0xfd: {  	s9 =	simm.s32 $0x9200;
	s10 =	rddreg [dreg:$0x9];
	[sflag:s14] =	ssyncadd.s32 $0xFFFFE000  }
0xfe: {  	[hbm4b:s10+s5] =	stream.linear.scatter [tilespmem:s9], [sflag:$0xE], $0x2000, $0x38;
	[tilespmem:$0x17200] =	vst v63  }
0xff: {  	_ =	swait.ge [sflag:s16], $0x2000  }
0x100: {  	[sflag:s16] =	ssyncset.done $0x0  }
0x101: {  	s10 =	simm.s32 $0xB200;
	s11 =	rddreg [dreg:$0xa];
	[sflag:s16] =	ssyncadd.s32 $0xFFFFE000  }
0x102: {  	[hbm4b:s11+s5] =	stream.linear.scatter [tilespmem:s10], [sflag:$0xF], $0x2000, $0x38;
	[tilespmem:$0x17200] =	vst v63  }
0x103: {  	s10 =	simm.s32 $0x6  }
0x104: {  	_ =	swait.ge [sflag:s10], $0x2000  }
0x105: {  	[sflag:s10] =	ssyncset.done $0x0  }
0x106: {  	s11 =	simm.s32 $0xD200;
	s12 =	rddreg [dreg:$0xb];
	[sflag:s10] =	ssyncadd.s32 $0xFFFFE000  }
0x107: {  	[hbm4b:s12+s5] =	stream.linear.scatter [tilespmem:s11], [sflag:$0x10], $0x2000, $0x38;
	[tilespmem:$0x17200] =	vst v63  }
0x108: {  	s11 =	simm.s32 $0x7  }
0x109: {  	_ =	swait.ge [sflag:s11], $0x2000  }
0x10a: {  	[sflag:s11] =	ssyncset.done $0x0  }
0x10b: {  	s12 =	simm.s32 $0xF200;
	s15 =	rddreg [dreg:$0xc];
	[sflag:s11] =	ssyncadd.s32 $0xFFFFE000  }
0x10c: {  	[hbm4b:s15+s5] =	stream.linear.scatter [tilespmem:s12], [sflag:$0x11], $0x2000, $0x38;
	[tilespmem:$0x17200] =	vst v63  }
0x10d: {  	_ =	swait.ge [sflag:s19], $0x2000  }
0x10e: {  	[sflag:s19] =	ssyncset.done $0x0  }
0x10f: {  	s15 =	simm.s32 $0x11200;
	s7 =	rddreg [dreg:$0xd];
	[sflag:s19] =	ssyncadd.s32 $0xFFFFE000  }
0x110: {  	[hbm4b:s7+s5] =	stream.linear.scatter [tilespmem:s15], [sflag:$0x12], $0x2000, $0x38;
	[tilespmem:$0x17200] =	vst v63  }
0x111: {  	_ =	swait.ge [sflag:s20], $0x2000  }
0x112: {  	[sflag:s20] =	ssyncset.done $0x0  }
0x113: {  	s9 =	simm.s32 $0x13200;
	s8 =	rddreg [dreg:$0xe];
	[sflag:s20] =	ssyncadd.s32 $0xFFFFE000  }
0x114: {  	[hbm4b:s8+s5] =	stream.linear.scatter [tilespmem:s9], [sflag:$0x13], $0x2000, $0x38;
	[tilespmem:$0x17200] =	vst v63  }
0x115: {  	_ =	swait.ge [sflag:s21], $0x2000  }
0x116: {  	[sflag:s21] =	ssyncset.done $0x0  }
0x117: {  	s15 =	simm.s32 $0x15200;
	s12 =	rddreg [dreg:$0x18];
	[sflag:s21] =	ssyncadd.s32 $0xFFFFE000  }
0x118: {  	[hbm4b:s12+s5] =	stream.linear.scatter [tilespmem:s15], [sflag:$0x14], $0x2000, $0x38;
	[tilespmem:$0x17200] =	vst v63  }
0x119: {  	_ =	swait.ge [sflag:s22], $0x2000  }
0x11a: {  	[sflag:s22] =	ssyncset.done $0x0  }
0x11b: {  	[sflag:s22] =	ssyncadd.s32 $0xFFFFE000  }
0x11c: {  	_ =	swait.ge [sflag:s25], $0x2000  }
0x11d: {  	[sflag:s25] =	ssyncset.done $0x0  }
0x11e: {  	[sflag:s25] =	ssyncadd.s32 $0xFFFFE000  }
0x11f: {  	_ =	swait.ge [sflag:s26], $0x2000  }
0x120: {  	[sflag:s26] =	ssyncset.done $0x0  }
0x121: {  	[sflag:s26] =	ssyncadd.s32 $0xFFFFE000  }
0x122: {  	_ =	swait.ge [sflag:s28], $0x2000  }
0x123: {  	[sflag:s28] =	ssyncset.done $0x0  }
0x124: {  	[sflag:s28] =	ssyncadd.s32 $0xFFFFE000  }
0x125: {  	_ =	swait.ge [sflag:s31], $0x2000  }
0x126: {  	[sflag:s31] =	ssyncset.done $0x0  }
0x127: {  	[sflag:s31] =	ssyncadd.s32 $0xFFFFE000  }
0x128: {  	_ =	swait.ge [sflag:s29], $0x2000  }
0x129: {  	[sflag:s29] =	ssyncset.done $0x0  }
0x12a: {  	[sflag:s29] =	ssyncadd.s32 $0xFFFFE000  }
0x12b: {  	_ =	swait.ge [sflag:s30], $0x2000  }
0x12c: {  	[sflag:s30] =	ssyncset.done $0x0  }
0x12d: {  	[sflag:s30] =	ssyncadd.s32 $0xFFFFE000  }
0x12e: {  	_ =	swait.ge [sflag:s2], $0x2000  }
0x12f: {  	[sflag:s2] =	ssyncset.done $0x0  }
0x130: {  	[sflag:s2] =	ssyncadd.s32 $0xFFFFE000  }
0x131: {  	_ =	swait.ge [sflag:s3], $0x2000  }
0x132: {  	[sflag:s3] =	ssyncset.done $0x0  }
0x133: {  	[sflag:s3] =	ssyncadd.s32 $0xFFFFE000  }
0x134: {  	_ =	swait.ge [sflag:s4], $0x2000  }
0x135: {  	[sflag:s4] =	ssyncset.done $0x0  }
0x136: {  	s7 =	simm.s32 $0x3200;
	s8 =	simm.s32 $0x1900;
	[sflag:s4] =	ssyncadd.s32 $0xFFFFE000  }
0x137: {  	[tilespmem:s7], [sflag:$0x1] =	stream.indirect.gather [hbm4b:s24+s0], $0x80, s8, s0, $0xb8;
	[tilespmem:$0x17200] =	vst v63  }
0x138: {  	s9 =	simm.s32 $0x1940;
	s8 =	simm.s32 $0x5200  }
0x139: {  	[tilespmem:s8], [sflag:$0x2] =	stream.indirect.gather [hbm4b:s24+s0], $0x80, s9, s0, $0xb8;
	[tilespmem:$0x17200] =	vst v63  }
0x13a: {  	s12 =	simm.s32 $0x1980;
	s9 =	simm.s32 $0x7200  }
0x13b: {  	[tilespmem:s9], [sflag:$0x3] =	stream.indirect.gather [hbm4b:s24+s0], $0x80, s12, s0, $0xb8;
	[tilespmem:$0x17200] =	vst v63  }
0x13c: {  	s15 =	simm.s32 $0x19C0;
	s12 =	simm.s32 $0x9200  }
0x13d: {  	[tilespmem:s12], [sflag:$0x4] =	stream.indirect.gather [hbm4b:s24+s0], $0x80, s15, s0, $0xb8;
	[tilespmem:$0x17200] =	vst v63  }
0x13e: {  	s6 =	simm.s32 $0x1A00;
	s15 =	simm.s32 $0xB200  }
0x13f: {  	[tilespmem:s15], [sflag:$0x5] =	stream.indirect.gather [hbm4b:s24+s0], $0x80, s6, s0, $0xb8;
	[tilespmem:$0x17200] =	vst v63  }
0x140: {  	s5 =	simm.s32 $0x1A40;
	s6 =	simm.s32 $0xD200  }
0x141: {  	[tilespmem:s6], [sflag:$0x6] =	stream.indirect.gather [hbm4b:s24+s0], $0x80, s5, s0, $0xb8;
	[tilespmem:$0x17200] =	vst v63  }
0x142: {  	s5 =	simm.s32 $0x1A80;
	s6 =	simm.s32 $0xF200  }
0x143: {  	[tilespmem:s6], [sflag:$0x7] =	stream.indirect.gather [hbm4b:s24+s0], $0x80, s5, s0, $0xb8;
	[tilespmem:$0x17200] =	vst v63  }
0x144: {  	s5 =	simm.s32 $0x1AC0;
	s6 =	simm.s32 $0x11200  }
0x145: {  	[tilespmem:s6], [sflag:$0x8] =	stream.indirect.gather [hbm4b:s24+s0], $0x80, s5, s0, $0xb8;
	[tilespmem:$0x17200] =	vst v63  }
0x146: {  	s5 =	simm.s32 $0x1B00;
	s6 =	simm.s32 $0x13200  }
0x147: {  	[tilespmem:s6], [sflag:$0x9] =	stream.indirect.gather [hbm4b:s24+s0], $0x80, s5, s0, $0xb8;
	[tilespmem:$0x17200] =	vst v63  }
0x148: {  	s5 =	simm.s32 $0x1B40;
	s6 =	simm.s32 $0x15200  }
0x149: {  	[tilespmem:s6], [sflag:$0xA] =	stream.indirect.gather [hbm4b:s24+s0], $0x80, s5, s0, $0xb8;
	[tilespmem:$0x17200] =	vst v63  }
0x14a: {  	_ =	swait.ge [sflag:s17], $0x2000  }
0x14b: {  	[sflag:s17] =	ssyncset.done $0x0;
	s6 =	rddreg [dreg:$0x1e]  }
0x14c: {  	[sflag:s17] =	ssyncadd.s32 $0xFFFFE000;
	s17 =	sadd.s32 $0xFFFFDC00, s6  }
0x14d: {  	[hbm4b:s17+s1] =	stream.linear.scatter [tilespmem:s7], [sflag:$0xB], $0x2000, $0x38;
	[tilespmem:$0x17200] =	vst v63  }
0x14e: {  	_ =	swait.ge [sflag:s18], $0x2000  }
0x14f: {  	[sflag:s18] =	ssyncset.done $0x0  }
0x150: {  	s7 =	sadd.s32 $0xFFFFE000, s6;
	[sflag:s18] =	ssyncadd.s32 $0xFFFFE000  }
0x151: {  	[hbm4b:s7+s1] =	stream.linear.scatter [tilespmem:s8], [sflag:$0xC], $0x2000, $0x38;
	[tilespmem:$0x17200] =	vst v63  }
0x152: {  	_ =	swait.ge [sflag:s13], $0x2000  }
0x153: {  	[sflag:s13] =	ssyncset.done $0x0  }
0x154: {  	[sflag:s13] =	ssyncadd.s32 $0xFFFFE000;
	s13 =	sadd.s32 $0xFFFFE400, s6  }
0x155: {  	[hbm4b:s13+s1] =	stream.linear.scatter [tilespmem:s9], [sflag:$0xD], $0x2000, $0x38;
	[tilespmem:$0x17200] =	vst v63  }
0x156: {  	_ =	swait.ge [sflag:s14], $0x2000  }
0x157: {  	[sflag:s14] =	ssyncset.done $0x0  }
0x158: {  	[sflag:s14] =	ssyncadd.s32 $0xFFFFE000;
	s14 =	sadd.s32 $0xFFFFE800, s6  }
0x159: {  	[hbm4b:s14+s1] =	stream.linear.scatter [tilespmem:s12], [sflag:$0xE], $0x2000, $0x38;
	[tilespmem:$0x17200] =	vst v63  }
0x15a: {  	_ =	swait.ge [sflag:s16], $0x2000  }
0x15b: {  	[sflag:s16] =	ssyncset.done $0x0  }
0x15c: {  	s7 =	sadd.s32 $0xFFFFEC00, s6;
	[sflag:s16] =	ssyncadd.s32 $0xFFFFE000  }
0x15d: {  	[hbm4b:s7+s1] =	stream.linear.scatter [tilespmem:s15], [sflag:$0xF], $0x2000, $0x38;
	[tilespmem:$0x17200] =	vst v63  }
0x15e: {  	_ =	swait.ge [sflag:s10], $0x2000  }
0x15f: {  	[sflag:s10] =	ssyncset.done $0x0  }
0x160: {  	s8 =	sadd.s32 $0xFFFFF000, s6;
	s9 =	simm.s32 $0xD200;
	[sflag:s10] =	ssyncadd.s32 $0xFFFFE000  }
0x161: {  	[hbm4b:s8+s1] =	stream.linear.scatter [tilespmem:s9], [sflag:$0x10], $0x2000, $0x38;
	[tilespmem:$0x17200] =	vst v63  }
0x162: {  	_ =	swait.ge [sflag:s11], $0x2000  }
0x163: {  	[sflag:s11] =	ssyncset.done $0x0  }
0x164: {  	s10 =	sadd.s32 $0xFFFFF400, s6;
	[sflag:s11] =	ssyncadd.s32 $0xFFFFE000;
	s11 =	simm.s32 $0xF200  }
0x165: {  	[hbm4b:s10+s1] =	stream.linear.scatter [tilespmem:s11], [sflag:$0x11], $0x2000, $0x38;
	[tilespmem:$0x17200] =	vst v63  }
0x166: {  	_ =	swait.ge [sflag:s19], $0x2000  }
0x167: {  	[sflag:s19] =	ssyncset.done $0x0  }
0x168: {  	s14 =	sadd.s32 $0xFFFFF800, s6;
	s15 =	simm.s32 $0x11200;
	[sflag:s19] =	ssyncadd.s32 $0xFFFFE000  }
0x169: {  	[hbm4b:s14+s1] =	stream.linear.scatter [tilespmem:s15], [sflag:$0x12], $0x2000, $0x38;
	[tilespmem:$0x17200] =	vst v63  }
0x16a: {  	_ =	swait.ge [sflag:s20], $0x2000  }
0x16b: {  	[sflag:s20] =	ssyncset.done $0x0  }
0x16c: {  	s16 =	sadd.s32 $0xFFFFFC00, s6;
	s10 =	simm.s32 $0x13200;
	[sflag:s20] =	ssyncadd.s32 $0xFFFFE000  }
0x16d: {  	[hbm4b:s16+s1] =	stream.linear.scatter [tilespmem:s10], [sflag:$0x13], $0x2000, $0x38;
	[tilespmem:$0x17200] =	vst v63  }
0x16e: {  	_ =	swait.ge [sflag:s21], $0x2000  }
0x16f: {  	[sflag:s21] =	ssyncset.done $0x0  }
0x170: {  	s11 =	simm.s32 $0x15200;
	[sflag:s21] =	ssyncadd.s32 $0xFFFFE000  }
0x171: {  	[hbm4b:s6+s1] =	stream.linear.scatter [tilespmem:s11], [sflag:$0x14], $0x2000, $0x38;
	[tilespmem:$0x17200] =	vst v63  }
0x172: {  	_ =	swait.ge [sflag:s22], $0x2000  }
0x173: {  	[sflag:s22] =	ssyncset.done $0x0  }
0x174: {  	s17 =	simm.s32 $0x3200;
	s14 =	simm.s32 $0x1B80;
	[sflag:s22] =	ssyncadd.s32 $0xFFFFE000  }
0x175: {  	[tilespmem:s17], [sflag:$0x1] =	stream.indirect.gather [hbm4b:s24+s0], $0x80, s14, s0, $0xb8;
	[tilespmem:$0x17200] =	vst v63  }
0x176: {  	_ =	swait.ge [sflag:s25], $0x2000  }
0x177: {  	[sflag:s25] =	ssyncset.done $0x0  }
0x178: {  	s15 =	simm.s32 $0x1BC0;
	s16 =	simm.s32 $0x5200;
	[sflag:s25] =	ssyncadd.s32 $0xFFFFE000  }
0x179: {  	[tilespmem:s16], [sflag:$0x2] =	stream.indirect.gather [hbm4b:s24+s0], $0x80, s15, s0, $0xb8;
	[tilespmem:$0x17200] =	vst v63  }
0x17a: {  	_ =	swait.ge [sflag:s26], $0x2000  }
0x17b: {  	[sflag:s26] =	ssyncset.done $0x0  }
0x17c: {  	s18 =	simm.s32 $0x7200;
	s17 =	simm.s32 $0x1C00;
	[sflag:s26] =	ssyncadd.s32 $0xFFFFE000  }
0x17d: {  	[tilespmem:s18], [sflag:$0x3] =	stream.indirect.gather [hbm4b:s24+s0], $0x80, s17, s0, $0xb8;
	[tilespmem:$0x17200] =	vst v63  }
0x17e: {  	_ =	swait.ge [sflag:s28], $0x2000  }
0x17f: {  	[sflag:s28] =	ssyncset.done $0x0  }
0x180: {  	s13 =	simm.s32 $0x9200;
	s11 =	simm.s32 $0x1C40;
	[sflag:s28] =	ssyncadd.s32 $0xFFFFE000  }
0x181: {  	[tilespmem:s13], [sflag:$0x4] =	stream.indirect.gather [hbm4b:s24+s0], $0x80, s11, s0, $0xb8;
	[tilespmem:$0x17200] =	vst v63  }
0x182: {  	_ =	swait.ge [sflag:s31], $0x2000  }
0x183: {  	[sflag:s31] =	ssyncset.done $0x0  }
0x184: {  	s12 =	simm.s32 $0xB200;
	s14 =	simm.s32 $0x1C80;
	[sflag:s31] =	ssyncadd.s32 $0xFFFFE000  }
0x185: {  	[tilespmem:s12], [sflag:$0x5] =	stream.indirect.gather [hbm4b:s24+s0], $0x80, s14, s0, $0xb8;
	[tilespmem:$0x17200] =	vst v63  }
0x186: {  	_ =	swait.ge [sflag:s29], $0x2000  }
0x187: {  	[sflag:s29] =	ssyncset.done $0x0  }
0x188: {  	s9 =	simm.s32 $0xD200;
	s15 =	simm.s32 $0x1CC0;
	[sflag:s29] =	ssyncadd.s32 $0xFFFFE000  }
0x189: {  	[tilespmem:s9], [sflag:$0x6] =	stream.indirect.gather [hbm4b:s24+s0], $0x80, s15, s0, $0xb8;
	[tilespmem:$0x17200] =	vst v63  }
0x18a: {  	_ =	swait.ge [sflag:s30], $0x2000  }
0x18b: {  	[sflag:s30] =	ssyncset.done $0x0  }
0x18c: {  	s8 =	simm.s32 $0xF200;
	s16 =	simm.s32 $0x1D00;
	[sflag:s30] =	ssyncadd.s32 $0xFFFFE000  }
0x18d: {  	[tilespmem:s8], [sflag:$0x7] =	stream.indirect.gather [hbm4b:s24+s0], $0x80, s16, s0, $0xb8;
	[tilespmem:$0x17200] =	vst v63  }
0x18e: {  	_ =	swait.ge [sflag:s2], $0x2000  }
0x18f: {  	[sflag:s2] =	ssyncset.done $0x0  }
0x190: {  	s7 =	simm.s32 $0x11200;
	s17 =	simm.s32 $0x1D40;
	[sflag:s2] =	ssyncadd.s32 $0xFFFFE000  }
0x191: {  	[tilespmem:s7], [sflag:$0x8] =	stream.indirect.gather [hbm4b:s24+s0], $0x80, s17, s0, $0xb8;
	[tilespmem:$0x17200] =	vst v63  }
0x192: {  	_ =	swait.ge [sflag:s3], $0x2000  }
0x193: {  	[sflag:s3] =	ssyncset.done $0x0  }
0x194: {  	s18 =	simm.s32 $0x1D80;
	[sflag:s3] =	ssyncadd.s32 $0xFFFFE000  }
0x195: {  	[tilespmem:s10], [sflag:$0x9] =	stream.indirect.gather [hbm4b:s24+s0], $0x80, s18, s0, $0xb8;
	[tilespmem:$0x17200] =	vst v63  }
0x196: {  	_ =	swait.ge [sflag:s4], $0x2000  }
0x197: {  	s5 =	simm.s32 $0xA00;
	[sflag:s4] =	ssyncset.done $0x0  }
0x198: {  	s6 =	sadd.s32 $0x2800, s6;
	s7 =	simm.s32 $0x1DC0;
	[sflag:s4] =	ssyncadd.s32 $0xFFFFE000  }
.LBB2_4:
0x199: {  	s10 =	simm.s32 $0x15200  }
0x19a: {  	[tilespmem:s10], [sflag:$0xA] =	stream.indirect.gather [hbm4b:s24+s0], $0x80, s7, s0, $0xb8;
	[tilespmem:$0x17200] =	vst v63  }
0x19b: {  	s8 =	simm.s32 $0x1;
	s7 =	smov.u32 s5  }
0x19c: {  	p0 =	sne.s32 s5, $0x5000;
	s5 =	sadd.s32 $0xA00, s5;
	_ =	swait.ge [sflag:s8], $0x2000  }
0x19d: {  	[sflag:s8] =	ssyncset.done $0x0  }
0x19e: {  	s9 =	simm.s32 $0x3200;
	[sflag:s8] =	ssyncadd.s32 $0xFFFFE000;
	s8 =	sadd.s32 $0xFFFFDC00, s6  }
0x19f: {  	[hbm4b:s8+s1] =	stream.linear.scatter [tilespmem:s9], [sflag:$0xB], $0x2000, $0x38;
	[tilespmem:$0x17200] =	vst v63  }
0x1a0: {  	s8 =	simm.s32 $0x2  }
0x1a1: {  	_ =	swait.ge [sflag:s8], $0x2000  }
0x1a2: {  	[sflag:s8] =	ssyncset.done $0x0  }
0x1a3: {  	s11 =	simm.s32 $0x5200;
	[sflag:s8] =	ssyncadd.s32 $0xFFFFE000;
	s8 =	sadd.s32 $0xFFFFE000, s6  }
0x1a4: {  	[hbm4b:s8+s1] =	stream.linear.scatter [tilespmem:s11], [sflag:$0xC], $0x2000, $0x38;
	[tilespmem:$0x17200] =	vst v63  }
0x1a5: {  	s8 =	simm.s32 $0x3  }
0x1a6: {  	_ =	swait.ge [sflag:s8], $0x2000  }
0x1a7: {  	[sflag:s8] =	ssyncset.done $0x0  }
0x1a8: {  	s12 =	simm.s32 $0x7200;
	[sflag:s8] =	ssyncadd.s32 $0xFFFFE000;
	s8 =	sadd.s32 $0xFFFFE400, s6  }
0x1a9: {  	[hbm4b:s8+s1] =	stream.linear.scatter [tilespmem:s12], [sflag:$0xD], $0x2000, $0x38;
	[tilespmem:$0x17200] =	vst v63  }
0x1aa: {  	s8 =	simm.s32 $0x4  }
0x1ab: {  	_ =	swait.ge [sflag:s8], $0x2000  }
0x1ac: {  	[sflag:s8] =	ssyncset.done $0x0  }
0x1ad: {  	s13 =	simm.s32 $0x9200;
	[sflag:s8] =	ssyncadd.s32 $0xFFFFE000;
	s8 =	sadd.s32 $0xFFFFE800, s6  }
0x1ae: {  	[hbm4b:s8+s1] =	stream.linear.scatter [tilespmem:s13], [sflag:$0xE], $0x2000, $0x38;
	[tilespmem:$0x17200] =	vst v63  }
0x1af: {  	s8 =	simm.s32 $0x5  }
0x1b0: {  	_ =	swait.ge [sflag:s8], $0x2000  }
0x1b1: {  	[sflag:s8] =	ssyncset.done $0x0  }
0x1b2: {  	s14 =	simm.s32 $0xB200;
	[sflag:s8] =	ssyncadd.s32 $0xFFFFE000;
	s8 =	sadd.s32 $0xFFFFEC00, s6  }
0x1b3: {  	[hbm4b:s8+s1] =	stream.linear.scatter [tilespmem:s14], [sflag:$0xF], $0x2000, $0x38;
	[tilespmem:$0x17200] =	vst v63  }
0x1b4: {  	s8 =	simm.s32 $0x6  }
0x1b5: {  	_ =	swait.ge [sflag:s8], $0x2000  }
0x1b6: {  	[sflag:s8] =	ssyncset.done $0x0  }
0x1b7: {  	s15 =	simm.s32 $0xD200;
	[sflag:s8] =	ssyncadd.s32 $0xFFFFE000;
	s8 =	sadd.s32 $0xFFFFF000, s6  }
0x1b8: {  	[hbm4b:s8+s1] =	stream.linear.scatter [tilespmem:s15], [sflag:$0x10], $0x2000, $0x38;
	[tilespmem:$0x17200] =	vst v63  }
0x1b9: {  	s8 =	simm.s32 $0x7  }
0x1ba: {  	_ =	swait.ge [sflag:s8], $0x2000  }
0x1bb: {  	[sflag:s8] =	ssyncset.done $0x0  }
0x1bc: {  	s16 =	simm.s32 $0xF200;
	[sflag:s8] =	ssyncadd.s32 $0xFFFFE000;
	s8 =	sadd.s32 $0xFFFFF400, s6  }
0x1bd: {  	[hbm4b:s8+s1] =	stream.linear.scatter [tilespmem:s16], [sflag:$0x11], $0x2000, $0x38;
	[tilespmem:$0x17200] =	vst v63  }
0x1be: {  	_ =	swait.ge [sflag:s19], $0x2000  }
0x1bf: {  	[sflag:s19] =	ssyncset.done $0x0  }
0x1c0: {  	s17 =	simm.s32 $0x11200;
	s8 =	sadd.s32 $0xFFFFF800, s6;
	[sflag:s19] =	ssyncadd.s32 $0xFFFFE000  }
0x1c1: {  	[hbm4b:s8+s1] =	stream.linear.scatter [tilespmem:s17], [sflag:$0x12], $0x2000, $0x38;
	[tilespmem:$0x17200] =	vst v63  }
0x1c2: {  	_ =	swait.ge [sflag:s20], $0x2000  }
0x1c3: {  	[sflag:s20] =	ssyncset.done $0x0  }
0x1c4: {  	s18 =	simm.s32 $0x13200;
	s8 =	sadd.s32 $0xFFFFFC00, s6;
	[sflag:s20] =	ssyncadd.s32 $0xFFFFE000  }
0x1c5: {  	[hbm4b:s8+s1] =	stream.linear.scatter [tilespmem:s18], [sflag:$0x13], $0x2000, $0x38;
	[tilespmem:$0x17200] =	vst v63  }
0x1c6: {  	_ =	swait.ge [sflag:s21], $0x2000  }
0x1c7: {  	[sflag:s21] =	ssyncset.done $0x0  }
0x1c8: {  	[sflag:s21] =	ssyncadd.s32 $0xFFFFE000  }
0x1c9: {  	[hbm4b:s6+s1] =	stream.linear.scatter [tilespmem:s10], [sflag:$0x14], $0x2000, $0x38;
	[tilespmem:$0x17200] =	vst v63  }
0x1ca: {  	_ =	swait.ge [sflag:s22], $0x2000  }
0x1cb: {  	s7 =	sshra.s32 s7, $0x2;
	[sflag:s22] =	ssyncset.done $0x0  }
0x1cc: {  	s8 =	sadd.s32 $0x1B80, s7;
	s10 =	simm.s32 $0x3200;
	[sflag:s22] =	ssyncadd.s32 $0xFFFFE000  }
0x1cd: {  	[tilespmem:s9], [sflag:$0x1] =	stream.indirect.gather [hbm4b:s24+s0], $0x80, s8, s0, $0xb8;
	[tilespmem:$0x17200] =	vst v63  }
0x1ce: {  	_ =	swait.ge [sflag:s25], $0x2000  }
0x1cf: {  	[sflag:s25] =	ssyncset.done $0x0  }
0x1d0: {  	s8 =	sadd.s32 $0x1BC0, s7;
	s9 =	simm.s32 $0x5200;
	[sflag:s25] =	ssyncadd.s32 $0xFFFFE000  }
0x1d1: {  	[tilespmem:s11], [sflag:$0x2] =	stream.indirect.gather [hbm4b:s24+s0], $0x80, s8, s0, $0xb8;
	[tilespmem:$0x17200] =	vst v63  }
0x1d2: {  	_ =	swait.ge [sflag:s26], $0x2000  }
0x1d3: {  	[sflag:s26] =	ssyncset.done $0x0  }
0x1d4: {  	s8 =	sadd.s32 $0x1C00, s7;
	s11 =	simm.s32 $0x7200;
	[sflag:s26] =	ssyncadd.s32 $0xFFFFE000  }
0x1d5: {  	[tilespmem:s12], [sflag:$0x3] =	stream.indirect.gather [hbm4b:s24+s0], $0x80, s8, s0, $0xb8;
	[tilespmem:$0x17200] =	vst v63  }
0x1d6: {  	_ =	swait.ge [sflag:s28], $0x2000  }
0x1d7: {  	[sflag:s28] =	ssyncset.done $0x0  }
0x1d8: {  	s8 =	sadd.s32 $0x1C40, s7;
	s12 =	simm.s32 $0x9200;
	[sflag:s28] =	ssyncadd.s32 $0xFFFFE000  }
0x1d9: {  	[tilespmem:s13], [sflag:$0x4] =	stream.indirect.gather [hbm4b:s24+s0], $0x80, s8, s0, $0xb8;
	[tilespmem:$0x17200] =	vst v63  }
0x1da: {  	_ =	swait.ge [sflag:s31], $0x2000  }
0x1db: {  	[sflag:s31] =	ssyncset.done $0x0  }
0x1dc: {  	s8 =	sadd.s32 $0x1C80, s7;
	s13 =	simm.s32 $0xB200;
	[sflag:s31] =	ssyncadd.s32 $0xFFFFE000  }
0x1dd: {  	[tilespmem:s14], [sflag:$0x5] =	stream.indirect.gather [hbm4b:s24+s0], $0x80, s8, s0, $0xb8;
	[tilespmem:$0x17200] =	vst v63  }
0x1de: {  	_ =	swait.ge [sflag:s29], $0x2000  }
0x1df: {  	[sflag:s29] =	ssyncset.done $0x0  }
0x1e0: {  	s8 =	sadd.s32 $0x1CC0, s7;
	s14 =	simm.s32 $0xD200;
	[sflag:s29] =	ssyncadd.s32 $0xFFFFE000  }
0x1e1: {  	[tilespmem:s15], [sflag:$0x6] =	stream.indirect.gather [hbm4b:s24+s0], $0x80, s8, s0, $0xb8;
	[tilespmem:$0x17200] =	vst v63  }
0x1e2: {  	_ =	swait.ge [sflag:s30], $0x2000  }
0x1e3: {  	[sflag:s30] =	ssyncset.done $0x0  }
0x1e4: {  	s8 =	sadd.s32 $0x1D00, s7;
	s15 =	simm.s32 $0xF200;
	[sflag:s30] =	ssyncadd.s32 $0xFFFFE000  }
0x1e5: {  	[tilespmem:s16], [sflag:$0x7] =	stream.indirect.gather [hbm4b:s24+s0], $0x80, s8, s0, $0xb8;
	[tilespmem:$0x17200] =	vst v63  }
0x1e6: {  	_ =	swait.ge [sflag:s2], $0x2000  }
0x1e7: {  	[sflag:s2] =	ssyncset.done $0x0  }
0x1e8: {  	s8 =	sadd.s32 $0x1D40, s7;
	s16 =	simm.s32 $0x11200;
	[sflag:s2] =	ssyncadd.s32 $0xFFFFE000  }
0x1e9: {  	[tilespmem:s17], [sflag:$0x8] =	stream.indirect.gather [hbm4b:s24+s0], $0x80, s8, s0, $0xb8;
	[tilespmem:$0x17200] =	vst v63  }
0x1ea: {  	_ =	swait.ge [sflag:s3], $0x2000  }
0x1eb: {  	s8 =	sadd.s32 $0x1D80, s7;
	[sflag:s3] =	ssyncset.done $0x0  }
.Ltmp1:
0x1ec: {  	s17 =	simm.s32 $0x13200;
	[sflag:s3] =	ssyncadd.s32 $0xFFFFE000;
	(pc) =	sbr.rel @p0 .LBB2_4-.Ltmp1, $4  }
0x1ed: {  	[tilespmem:s18], [sflag:$0x9] =	stream.indirect.gather [hbm4b:s24+s0], $0x80, s8, s0, $0xb8;
	[tilespmem:$0x17200] =	vst v63  }
0x1ee: {  	_ =	swait.ge [sflag:s4], $0x2000  }
0x1ef: {  	[sflag:s4] =	ssyncset.done $0x0  }
0x1f0: {  	s6 =	sadd.s32 $0x2800, s6;
	s7 =	sadd.s32 $0x1DC0, s7;
	[sflag:s4] =	ssyncadd.s32 $0xFFFFE000  }
0x1f1: {  	s6 =	simm.s32 $0x15200;
	s5 =	simm.s32 $0x1  }
0x1f2: {  	[tilespmem:s6], [sflag:$0xA] =	stream.indirect.gather [hbm4b:s24+s0], $0x80, s7, s0, $0xb8;
	[tilespmem:$0x17200] =	vst v63  }
0x1f3: {  	_ =	swait.ge [sflag:s5], $0x2000  }
0x1f4: {  	[sflag:s5] =	ssyncset.done $0x0  }
0x1f5: {  	s7 =	simm.s32 $0x2;
	s18 =	rddreg [dreg:$0xf];
	[sflag:s5] =	ssyncadd.s32 $0xFFFFE000  }
0x1f6: {  	[hbm4b:s18+s1] =	stream.linear.scatter [tilespmem:s10], [sflag:$0xB], $0x2000, $0x38;
	[tilespmem:$0x17200] =	vst v63  }
0x1f7: {  	_ =	swait.ge [sflag:s7], $0x2000  }
0x1f8: {  	[sflag:s7] =	ssyncset.done $0x0  }
0x1f9: {  	s8 =	rddreg [dreg:$0x10];
	[sflag:s7] =	ssyncadd.s32 $0xFFFFE000  }
0x1fa: {  	[hbm4b:s8+s1] =	stream.linear.scatter [tilespmem:s9], [sflag:$0xC], $0x2000, $0x38;
	[tilespmem:$0x17200] =	vst v63  }
0x1fb: {  	s9 =	simm.s32 $0x3  }
0x1fc: {  	_ =	swait.ge [sflag:s9], $0x2000  }
0x1fd: {  	[sflag:s9] =	ssyncset.done $0x0  }
0x1fe: {  	s18 =	simm.s32 $0x4;
	s10 =	rddreg [dreg:$0x11];
	[sflag:s9] =	ssyncadd.s32 $0xFFFFE000  }
0x1ff: {  	[hbm4b:s10+s1] =	stream.linear.scatter [tilespmem:s11], [sflag:$0xD], $0x2000, $0x38;
	[tilespmem:$0x17200] =	vst v63  }
0x200: {  	_ =	swait.ge [sflag:s18], $0x2000  }
0x201: {  	[sflag:s18] =	ssyncset.done $0x0  }
0x202: {  	s8 =	simm.s32 $0x5;
	s7 =	rddreg [dreg:$0x12];
	[sflag:s18] =	ssyncadd.s32 $0xFFFFE000  }
0x203: {  	[hbm4b:s7+s1] =	stream.linear.scatter [tilespmem:s12], [sflag:$0xE], $0x2000, $0x38;
	[tilespmem:$0x17200] =	vst v63  }
0x204: {  	_ =	swait.ge [sflag:s8], $0x2000  }
0x205: {  	[sflag:s8] =	ssyncset.done $0x0  }
0x206: {  	s10 =	simm.s32 $0x6;
	s9 =	rddreg [dreg:$0x13];
	[sflag:s8] =	ssyncadd.s32 $0xFFFFE000  }
0x207: {  	[hbm4b:s9+s1] =	stream.linear.scatter [tilespmem:s13], [sflag:$0xF], $0x2000, $0x38;
	[tilespmem:$0x17200] =	vst v63  }
0x208: {  	_ =	swait.ge [sflag:s10], $0x2000  }
0x209: {  	[sflag:s10] =	ssyncset.done $0x0  }
0x20a: {  	s12 =	simm.s32 $0x7;
	s11 =	rddreg [dreg:$0x14];
	[sflag:s10] =	ssyncadd.s32 $0xFFFFE000  }
0x20b: {  	[hbm4b:s11+s1] =	stream.linear.scatter [tilespmem:s14], [sflag:$0x10], $0x2000, $0x38;
	[tilespmem:$0x17200] =	vst v63  }
0x20c: {  	_ =	swait.ge [sflag:s12], $0x2000  }
0x20d: {  	[sflag:s12] =	ssyncset.done $0x0  }
0x20e: {  	s13 =	rddreg [dreg:$0x15];
	[sflag:s12] =	ssyncadd.s32 $0xFFFFE000  }
0x20f: {  	[hbm4b:s13+s1] =	stream.linear.scatter [tilespmem:s15], [sflag:$0x11], $0x2000, $0x38;
	[tilespmem:$0x17200] =	vst v63  }
0x210: {  	_ =	swait.ge [sflag:s19], $0x2000  }
0x211: {  	[sflag:s19] =	ssyncset.done $0x0  }
0x212: {  	s14 =	rddreg [dreg:$0x16];
	[sflag:s19] =	ssyncadd.s32 $0xFFFFE000  }
0x213: {  	[hbm4b:s14+s1] =	stream.linear.scatter [tilespmem:s16], [sflag:$0x12], $0x2000, $0x38;
	[tilespmem:$0x17200] =	vst v63  }
0x214: {  	_ =	swait.ge [sflag:s20], $0x2000  }
0x215: {  	[sflag:s20] =	ssyncset.done $0x0  }
0x216: {  	s15 =	rddreg [dreg:$0x17];
	[sflag:s20] =	ssyncadd.s32 $0xFFFFE000  }
0x217: {  	[hbm4b:s15+s1] =	stream.linear.scatter [tilespmem:s17], [sflag:$0x13], $0x2000, $0x38;
	[tilespmem:$0x17200] =	vst v63  }
0x218: {  	_ =	swait.ge [sflag:s21], $0x2000  }
0x219: {  	[sflag:s21] =	ssyncset.done $0x0  }
0x21a: {  	s16 =	rddreg [dreg:$0x19];
	[sflag:s21] =	ssyncadd.s32 $0xFFFFE000  }
0x21b: {  	[hbm4b:s16+s1] =	stream.linear.scatter [tilespmem:s6], [sflag:$0x14], $0x2000, $0x38;
	[tilespmem:$0x17200] =	vst v63  }
0x21c: {  	_ =	swait.ge [sflag:s22], $0x2000  }
0x21d: {  	[sflag:s22] =	ssyncset.done $0x0  }
0x21e: {  	[sflag:s22] =	ssyncadd.s32 $0xFFFFE000  }
0x21f: {  	_ =	swait.ge [sflag:s25], $0x2000  }
0x220: {  	[sflag:s25] =	ssyncset.done $0x0  }
0x221: {  	[sflag:s25] =	ssyncadd.s32 $0xFFFFE000  }
0x222: {  	_ =	swait.ge [sflag:s26], $0x2000  }
0x223: {  	[sflag:s26] =	ssyncset.done $0x0  }
0x224: {  	[sflag:s26] =	ssyncadd.s32 $0xFFFFE000  }
0x225: {  	_ =	swait.ge [sflag:s28], $0x2000  }
0x226: {  	[sflag:s28] =	ssyncset.done $0x0  }
0x227: {  	[sflag:s28] =	ssyncadd.s32 $0xFFFFE000  }
0x228: {  	_ =	swait.ge [sflag:s31], $0x2000  }
0x229: {  	[sflag:s31] =	ssyncset.done $0x0  }
0x22a: {  	[sflag:s31] =	ssyncadd.s32 $0xFFFFE000  }
0x22b: {  	_ =	swait.ge [sflag:s29], $0x2000  }
0x22c: {  	[sflag:s29] =	ssyncset.done $0x0  }
0x22d: {  	[sflag:s29] =	ssyncadd.s32 $0xFFFFE000  }
0x22e: {  	_ =	swait.ge [sflag:s30], $0x2000  }
0x22f: {  	[sflag:s30] =	ssyncset.done $0x0  }
0x230: {  	[sflag:s30] =	ssyncadd.s32 $0xFFFFE000  }
0x231: {  	_ =	swait.ge [sflag:s2], $0x2000  }
0x232: {  	[sflag:s2] =	ssyncset.done $0x0  }
0x233: {  	[sflag:s2] =	ssyncadd.s32 $0xFFFFE000  }
0x234: {  	_ =	swait.ge [sflag:s3], $0x2000  }
0x235: {  	[sflag:s3] =	ssyncset.done $0x0  }
0x236: {  	[sflag:s3] =	ssyncadd.s32 $0xFFFFE000  }
0x237: {  	_ =	swait.ge [sflag:s4], $0x2000  }
0x238: {  	s17 =	rddreg [dreg:$0x1f]  }
0x239: {  	s18 =	rddreg [dreg:$0x1c];
	s6 =	sadd.s32 $0x1, s17  }
0x23a: {  	p0 =	sne.s32 s6, s18  }
.Ltmp2:
0x23b: {  	_ = 	snop;
	(pc) =	sbr.rel @p0 .LBB2_1-.Ltmp2, $3  }
0x23c: {  	_ =	sdelay $0x1  }
0x23d: {  	[sflag:s4] =	ssyncset.done $0x0  }
0x23e: {  	[sflag:s4] =	ssyncadd.s32 $0xFFFFE000  }
0x23f: {  	_ =	sfence.sel $0x180000  }
0x240: {  	[bflag:$0x0] =	sbarrier.arrive $0xFFFF  }
0x241: {  	_ =	strace $0x90000047  }
0x242: {  	s0 =	stileid.u32;
	[bflag:$0x2] =	sbarrier.arrive $0xFFFF  }
0x243: {  	p0 =	sne.s32 s0, $0x0;
	s0 =	rddreg [dreg:$0x5]  }
0x244: {  	s0 =	sadd.s32 @!p0 $0x100000, s0  }
0x245: {  	[sflag:s0] =	ssyncadd.tile.s32 @!p0 $0x1;
	_ =	shalt  }
.Lfunc_end2:
_tile_overlayer_lowered:
.L_overlay_start_2:
0x246: {  	(tag) =	ssettag $0x2  }
0x247: {  	s0 =	rddreg [dreg:$0x0];
	s2 =	stileid.u32  }
0x248: {  	s1 =	rddreg [dreg:$0x1];
	p0 =	sne.s32 s2, $0x0  }
0x249: {  	s3 =	rddreg [dreg:$0x2];
	[bflag:$0x3] =	sbarrier.arrive $0xFFFF;
	s2 =	simm.s32 @!p0 $0x1C15  }
0x24a: {  	[timem:s3], [sflag:s2] =	dma.local @!p0 [hbm:s0], s1  }
0x24b: {  	s0 =	simm.s32 @!p0 $0x15  }
0x24c: {  	_ =	swait.ge @!p0 [sflag:s0], s1  }
0x24d: {  	s1 =	ssub.s32 @!p0 $0x0, s1;
	[sflag:s0] =	ssyncset.done @!p0 $0x0  }
0x24e: {  	[sflag:s0] =	ssyncadd.s32 @!p0 s1  }
0x24f: {  	[bflag:$0x3] =	sbarrier.arrive $0xFFFF  }
0x250: {  	_ =	shalt  }

</sc_bundles>
